<compile_context>
chip_gen: v7x
topology: tpu7x:2x2x1
jax: 0.10.2.dev20260603
libtpu: 0.0.44.dev20260713+nightly
codegen_flags: <defaults>
</compile_context>

<pallas_src>
import functools

import jax
import jax.numpy as jnp
from jax import lax
from jax.experimental import pallas as pl
from jax.experimental.pallas import tpu as pltpu
from jax.experimental.pallas import tpu_sc as plsc

_EMB = 32
_B = 16384
_NF = 19
_NC = 2
_NS = 16
_NW = _NC * _NS
_BPW = _B // _NW
_NBUF = 6


def _body(xt_hbm, *refs):
    tables = refs[:_NF]
    out_hbm = refs[_NF]
    rest = refs[_NF + 1:]
    idx_v = rest[:_NF]
    rows_v = rest[_NF:_NF + _NBUF]
    isem, gsem, wsem = rest[_NF + _NBUF:]
    wid = lax.axis_index("s") * _NC + lax.axis_index("c")
    base = wid * _BPW

    idescr = [
        pltpu.async_copy(xt_hbm.at[pl.ds(i * _B + base, _BPW)], idx_v[i], isem)
        for i in range(_NF)
    ]
    for d in idescr:
        d.wait()

    def gather(i):
        return pltpu.async_copy(tables[i].at[idx_v[i]],
                                rows_v[i % _NBUF], gsem)

    def write(i):
        return pltpu.async_copy(
            rows_v[i % _NBUF],
            out_hbm.at[pl.ds(base, _BPW), pl.ds(i * _EMB, _EMB)], wsem)

    gd = [gather(i) for i in range(_NBUF)]
    wd = []
    for i in range(_NF):
        gd[i].wait()
        wd.append(write(i))
        j = i + _NBUF
        if j < _NF:
            wd[i].wait()
            gd.append(gather(j))
    for i in range(_NF - _NBUF, _NF):
        wd[i].wait()


_sc_lookup = functools.partial(
    pl.kernel,
    out_type=jax.ShapeDtypeStruct((_B, _NF * _EMB), jnp.float32),
    mesh=plsc.VectorSubcoreMesh(core_axis_name="c", subcore_axis_name="s"),
    compiler_params=pltpu.CompilerParams(use_tc_tiling_on_sc=False),
    scratch_types=(
        [pltpu.VMEM((_BPW,), jnp.int32) for _ in range(_NF)]
        + [pltpu.VMEM((_BPW, _EMB), jnp.float32) for _ in range(_NBUF)]
        + [pltpu.SemaphoreType.DMA] * 3
    ),
)(_body)


def kernel(x, W0, W1, W2, W3, W4, W5, W6, W7, W8, W9, W10, W11, W12, W13,
           W14, W15, W16, W17, W18):
    xt = x.T.reshape(-1)
    out = _sc_lookup(xt, W0, W1, W2, W3, W4, W5, W6, W7, W8, W9, W10, W11,
                     W12, W13, W14, W15, W16, W17, W18)
    return out.reshape(_B, _NF, _EMB)

# --- scband reference (transcript-rebuilt; emitter-appended) ---
"""Pipeline reference for scband-features-embedding-21088289423980 (READ-ONLY COPY).

The authoritative reference and input builder live on the scoring server;
editing this copy changes nothing except your own understanding.
"""

import jax, jax.numpy as jnp
import numpy as np

EMB = 32
B = 16384
# Table row counts in forward field order (fields 0..18):
# customer(+1), FN(+1), Active(+1), club(+1), fashion_news(+1), age(+2), postal(+1),
# price(+2), sales_channel(+1), season(+1), day(+1), month(+1), year(+1),
# prod_name(+1), prod_type(+1), graphical(+1), colour(+1), department(+1), index_group(+1)
SIZES = [100001, 100001, 100001, 100001, 100001, 100002, 100001, 100002, 100001, 100001, 100001, 100001, 100001, 100001, 100001, 100001, 100001, 100001, 100001]
NF = len(SIZES)


def setup_inputs(seed: int = 0) -> dict:
    key = jax.random.key(seed)
    key, kx = jax.random.split(key)
    inp = {"x": jax.random.randint(kx, (B, NF), 0, 100001, dtype=jnp.int32)}
    for i, s in enumerate(SIZES):
        key, k = jax.random.split(key)
        inp["W%d" % i] = jax.random.normal(k, (s, EMB), dtype=jnp.float32) * 0.01
    return inp


def reference(x, W0, W1, W2, W3, W4, W5, W6, W7, W8, W9, W10, W11, W12, W13, W14, W15, W16, W17, W18):
    # Each field i of x indexes its own embedding table, results stacked into
    # [batch, num_fields, embedding_dim], matching the torch forward exactly.
    tables = [W0, W1, W2, W3, W4, W5, W6, W7, W8, W9, W10, W11, W12, W13, W14, W15, W16, W17, W18]
    cols = [jnp.take(tables[i], x[:, i], axis=0) for i in range(NF)]
    return jnp.stack(cols, axis=1)

if __name__ == "__main__":
    import jax
    _d = setup_inputs()
    print(jax.jit(kernel)(*tuple(_d.values())))

</pallas_src>

<mosaic_0001>
#map = affine_map<(d0, d1) -> (0)>
#map1 = affine_map<(d0, d1) -> (0, 0)>
module attributes {stable_mosaic.version = 14 : i64} {
  func.func @_body(%arg0: i32, %arg1: i32, %arg2: memref<311296xi32, #tpu.memory_space<hbm>>, %arg3: memref<100001x32xf32, #tpu.memory_space<hbm>>, %arg4: memref<100001x32xf32, #tpu.memory_space<hbm>>, %arg5: memref<100001x32xf32, #tpu.memory_space<hbm>>, %arg6: memref<100001x32xf32, #tpu.memory_space<hbm>>, %arg7: memref<100001x32xf32, #tpu.memory_space<hbm>>, %arg8: memref<100002x32xf32, #tpu.memory_space<hbm>>, %arg9: memref<100001x32xf32, #tpu.memory_space<hbm>>, %arg10: memref<100002x32xf32, #tpu.memory_space<hbm>>, %arg11: memref<100001x32xf32, #tpu.memory_space<hbm>>, %arg12: memref<100001x32xf32, #tpu.memory_space<hbm>>, %arg13: memref<100001x32xf32, #tpu.memory_space<hbm>>, %arg14: memref<100001x32xf32, #tpu.memory_space<hbm>>, %arg15: memref<100001x32xf32, #tpu.memory_space<hbm>>, %arg16: memref<100001x32xf32, #tpu.memory_space<hbm>>, %arg17: memref<100001x32xf32, #tpu.memory_space<hbm>>, %arg18: memref<100001x32xf32, #tpu.memory_space<hbm>>, %arg19: memref<100001x32xf32, #tpu.memory_space<hbm>>, %arg20: memref<100001x32xf32, #tpu.memory_space<hbm>>, %arg21: memref<100001x32xf32, #tpu.memory_space<hbm>>, %arg22: memref<16384x608xf32, #tpu.memory_space<hbm>>, %arg23: memref<512xi32, #tpu.memory_space<vmem>>, %arg24: memref<512xi32, #tpu.memory_space<vmem>>, %arg25: memref<512xi32, #tpu.memory_space<vmem>>, %arg26: memref<512xi32, #tpu.memory_space<vmem>>, %arg27: memref<512xi32, #tpu.memory_space<vmem>>, %arg28: memref<512xi32, #tpu.memory_space<vmem>>, %arg29: memref<512xi32, #tpu.memory_space<vmem>>, %arg30: memref<512xi32, #tpu.memory_space<vmem>>, %arg31: memref<512xi32, #tpu.memory_space<vmem>>, %arg32: memref<512xi32, #tpu.memory_space<vmem>>, %arg33: memref<512xi32, #tpu.memory_space<vmem>>, %arg34: memref<512xi32, #tpu.memory_space<vmem>>, %arg35: memref<512xi32, #tpu.memory_space<vmem>>, %arg36: memref<512xi32, #tpu.memory_space<vmem>>, %arg37: memref<512xi32, #tpu.memory_space<vmem>>, %arg38: memref<512xi32, #tpu.memory_space<vmem>>, %arg39: memref<512xi32, #tpu.memory_space<vmem>>, %arg40: memref<512xi32, #tpu.memory_space<vmem>>, %arg41: memref<512xi32, #tpu.memory_space<vmem>>, %arg42: memref<512x32xf32, #tpu.memory_space<vmem>>, %arg43: memref<512x32xf32, #tpu.memory_space<vmem>>, %arg44: memref<512x32xf32, #tpu.memory_space<vmem>>, %arg45: memref<512x32xf32, #tpu.memory_space<vmem>>, %arg46: memref<512x32xf32, #tpu.memory_space<vmem>>, %arg47: memref<512x32xf32, #tpu.memory_space<vmem>>, %arg48: memref<!tpu.dma_semaphore, #tpu.memory_space<semaphore_mem>>, %arg49: memref<!tpu.dma_semaphore, #tpu.memory_space<semaphore_mem>>, %arg50: memref<!tpu.dma_semaphore, #tpu.memory_space<semaphore_mem>>) attributes {dimension_semantics = [#tpu.dimension_semantics<core_parallel>, #tpu.dimension_semantics<subcore_parallel>], iteration_bounds = array<i64: 2, 16>, scalar_prefetch = 0 : i64, scratch_operands = 28 : i64, tpu.core_type = #tpu.core_type<sc_vector_subcore>, window_params = [{transform_indices = #map}, {transform_indices = #map1}, {transform_indices = #map1}, {transform_indices = #map1}, {transform_indices = #map1}, {transform_indices = #map1}, {transform_indices = #map1}, {transform_indices = #map1}, {transform_indices = #map1}, {transform_indices = #map1}, {transform_indices = #map1}, {transform_indices = #map1}, {transform_indices = #map1}, {transform_indices = #map1}, {transform_indices = #map1}, {transform_indices = #map1}, {transform_indices = #map1}, {transform_indices = #map1}, {transform_indices = #map1}, {transform_indices = #map1}, {transform_indices = #map1}]} {
    %mul3A = arith.constant 2 : i32
    %mul3A_0 = arith.muli %arg1, %mul3A : i32
    %add3A = arith.addi %mul3A_0, %arg0 : i32
    %mul3A_1 = arith.constant 512 : i32
    %mul3A_2 = arith.muli %add3A, %mul3A_1 : i32
    %add3A_3 = arith.constant 0 : i32
    %add3A_4 = arith.addi %add3A_3, %mul3A_2 : i32
    %dma_start3A = tpu.memref_slice %arg2[%add3A_4] : memref<311296xi32, #tpu.memory_space<hbm>> -> memref<512xi32, #tpu.memory_space<hbm>>
    %dma_start3A_5 = tpu.memref_slice %arg2[%add3A_4] : memref<311296xi32, #tpu.memory_space<hbm>> -> memref<512xi32, #tpu.memory_space<hbm>>
    tpu.enqueue_dma source(%dma_start3A_5 : memref<512xi32, #tpu.memory_space<hbm>>) target(%arg23 : memref<512xi32, #tpu.memory_space<vmem>>) target_semaphore(%arg48 : memref<!tpu.dma_semaphore, #tpu.memory_space<semaphore_mem>>)
    %add3A_6 = arith.constant 16384 : i32
    %add3A_7 = arith.addi %add3A_6, %mul3A_2 : i32
    %dma_start3A_8 = tpu.memref_slice %arg2[%add3A_7] : memref<311296xi32, #tpu.memory_space<hbm>> -> memref<512xi32, #tpu.memory_space<hbm>>
    %dma_start3A_9 = tpu.memref_slice %arg2[%add3A_7] : memref<311296xi32, #tpu.memory_space<hbm>> -> memref<512xi32, #tpu.memory_space<hbm>>
    tpu.enqueue_dma source(%dma_start3A_9 : memref<512xi32, #tpu.memory_space<hbm>>) target(%arg24 : memref<512xi32, #tpu.memory_space<vmem>>) target_semaphore(%arg48 : memref<!tpu.dma_semaphore, #tpu.memory_space<semaphore_mem>>)
    %add3A_10 = arith.constant 32768 : i32
    %add3A_11 = arith.addi %add3A_10, %mul3A_2 : i32
    %dma_start3A_12 = tpu.memref_slice %arg2[%add3A_11] : memref<311296xi32, #tpu.memory_space<hbm>> -> memref<512xi32, #tpu.memory_space<hbm>>
    %dma_start3A_13 = tpu.memref_slice %arg2[%add3A_11] : memref<311296xi32, #tpu.memory_space<hbm>> -> memref<512xi32, #tpu.memory_space<hbm>>
    tpu.enqueue_dma source(%dma_start3A_13 : memref<512xi32, #tpu.memory_space<hbm>>) target(%arg25 : memref<512xi32, #tpu.memory_space<vmem>>) target_semaphore(%arg48 : memref<!tpu.dma_semaphore, #tpu.memory_space<semaphore_mem>>)
    %add3A_14 = arith.constant 49152 : i32
    %add3A_15 = arith.addi %add3A_14, %mul3A_2 : i32
    %dma_start3A_16 = tpu.memref_slice %arg2[%add3A_15] : memref<311296xi32, #tpu.memory_space<hbm>> -> memref<512xi32, #tpu.memory_space<hbm>>
    %dma_start3A_17 = tpu.memref_slice %arg2[%add3A_15] : memref<311296xi32, #tpu.memory_space<hbm>> -> memref<512xi32, #tpu.memory_space<hbm>>
    tpu.enqueue_dma source(%dma_start3A_17 : memref<512xi32, #tpu.memory_space<hbm>>) target(%arg26 : memref<512xi32, #tpu.memory_space<vmem>>) target_semaphore(%arg48 : memref<!tpu.dma_semaphore, #tpu.memory_space<semaphore_mem>>)
    %add3A_18 = arith.constant 65536 : i32
    %add3A_19 = arith.addi %add3A_18, %mul3A_2 : i32
    %dma_start3A_20 = tpu.memref_slice %arg2[%add3A_19] : memref<311296xi32, #tpu.memory_space<hbm>> -> memref<512xi32, #tpu.memory_space<hbm>>
    %dma_start3A_21 = tpu.memref_slice %arg2[%add3A_19] : memref<311296xi32, #tpu.memory_space<hbm>> -> memref<512xi32, #tpu.memory_space<hbm>>
    tpu.enqueue_dma source(%dma_start3A_21 : memref<512xi32, #tpu.memory_space<hbm>>) target(%arg27 : memref<512xi32, #tpu.memory_space<vmem>>) target_semaphore(%arg48 : memref<!tpu.dma_semaphore, #tpu.memory_space<semaphore_mem>>)
    %add3A_22 = arith.constant 81920 : i32
    %add3A_23 = arith.addi %add3A_22, %mul3A_2 : i32
    %dma_start3A_24 = tpu.memref_slice %arg2[%add3A_23] : memref<311296xi32, #tpu.memory_space<hbm>> -> memref<512xi32, #tpu.memory_space<hbm>>
    %dma_start3A_25 = tpu.memref_slice %arg2[%add3A_23] : memref<311296xi32, #tpu.memory_space<hbm>> -> memref<512xi32, #tpu.memory_space<hbm>>
    tpu.enqueue_dma source(%dma_start3A_25 : memref<512xi32, #tpu.memory_space<hbm>>) target(%arg28 : memref<512xi32, #tpu.memory_space<vmem>>) target_semaphore(%arg48 : memref<!tpu.dma_semaphore, #tpu.memory_space<semaphore_mem>>)
    %add3A_26 = arith.constant 98304 : i32
    %add3A_27 = arith.addi %add3A_26, %mul3A_2 : i32
    %dma_start3A_28 = tpu.memref_slice %arg2[%add3A_27] : memref<311296xi32, #tpu.memory_space<hbm>> -> memref<512xi32, #tpu.memory_space<hbm>>
    %dma_start3A_29 = tpu.memref_slice %arg2[%add3A_27] : memref<311296xi32, #tpu.memory_space<hbm>> -> memref<512xi32, #tpu.memory_space<hbm>>
    tpu.enqueue_dma source(%dma_start3A_29 : memref<512xi32, #tpu.memory_space<hbm>>) target(%arg29 : memref<512xi32, #tpu.memory_space<vmem>>) target_semaphore(%arg48 : memref<!tpu.dma_semaphore, #tpu.memory_space<semaphore_mem>>)
    %add3A_30 = arith.constant 114688 : i32
    %add3A_31 = arith.addi %add3A_30, %mul3A_2 : i32
    %dma_start3A_32 = tpu.memref_slice %arg2[%add3A_31] : memref<311296xi32, #tpu.memory_space<hbm>> -> memref<512xi32, #tpu.memory_space<hbm>>
    %dma_start3A_33 = tpu.memref_slice %arg2[%add3A_31] : memref<311296xi32, #tpu.memory_space<hbm>> -> memref<512xi32, #tpu.memory_space<hbm>>
    tpu.enqueue_dma source(%dma_start3A_33 : memref<512xi32, #tpu.memory_space<hbm>>) target(%arg30 : memref<512xi32, #tpu.memory_space<vmem>>) target_semaphore(%arg48 : memref<!tpu.dma_semaphore, #tpu.memory_space<semaphore_mem>>)
    %add3A_34 = arith.constant 131072 : i32
    %add3A_35 = arith.addi %add3A_34, %mul3A_2 : i32
    %dma_start3A_36 = tpu.memref_slice %arg2[%add3A_35] : memref<311296xi32, #tpu.memory_space<hbm>> -> memref<512xi32, #tpu.memory_space<hbm>>
    %dma_start3A_37 = tpu.memref_slice %arg2[%add3A_35] : memref<311296xi32, #tpu.memory_space<hbm>> -> memref<512xi32, #tpu.memory_space<hbm>>
    tpu.enqueue_dma source(%dma_start3A_37 : memref<512xi32, #tpu.memory_space<hbm>>) target(%arg31 : memref<512xi32, #tpu.memory_space<vmem>>) target_semaphore(%arg48 : memref<!tpu.dma_semaphore, #tpu.memory_space<semaphore_mem>>)
    %add3A_38 = arith.constant 147456 : i32
    %add3A_39 = arith.addi %add3A_38, %mul3A_2 : i32
    %dma_start3A_40 = tpu.memref_slice %arg2[%add3A_39] : memref<311296xi32, #tpu.memory_space<hbm>> -> memref<512xi32, #tpu.memory_space<hbm>>
    %dma_start3A_41 = tpu.memref_slice %arg2[%add3A_39] : memref<311296xi32, #tpu.memory_space<hbm>> -> memref<512xi32, #tpu.memory_space<hbm>>
    tpu.enqueue_dma source(%dma_start3A_41 : memref<512xi32, #tpu.memory_space<hbm>>) target(%arg32 : memref<512xi32, #tpu.memory_space<vmem>>) target_semaphore(%arg48 : memref<!tpu.dma_semaphore, #tpu.memory_space<semaphore_mem>>)
    %add3A_42 = arith.constant 163840 : i32
    %add3A_43 = arith.addi %add3A_42, %mul3A_2 : i32
    %dma_start3A_44 = tpu.memref_slice %arg2[%add3A_43] : memref<311296xi32, #tpu.memory_space<hbm>> -> memref<512xi32, #tpu.memory_space<hbm>>
    %dma_start3A_45 = tpu.memref_slice %arg2[%add3A_43] : memref<311296xi32, #tpu.memory_space<hbm>> -> memref<512xi32, #tpu.memory_space<hbm>>
    tpu.enqueue_dma source(%dma_start3A_45 : memref<512xi32, #tpu.memory_space<hbm>>) target(%arg33 : memref<512xi32, #tpu.memory_space<vmem>>) target_semaphore(%arg48 : memref<!tpu.dma_semaphore, #tpu.memory_space<semaphore_mem>>)
    %add3A_46 = arith.constant 180224 : i32
    %add3A_47 = arith.addi %add3A_46, %mul3A_2 : i32
    %dma_start3A_48 = tpu.memref_slice %arg2[%add3A_47] : memref<311296xi32, #tpu.memory_space<hbm>> -> memref<512xi32, #tpu.memory_space<hbm>>
    %dma_start3A_49 = tpu.memref_slice %arg2[%add3A_47] : memref<311296xi32, #tpu.memory_space<hbm>> -> memref<512xi32, #tpu.memory_space<hbm>>
    tpu.enqueue_dma source(%dma_start3A_49 : memref<512xi32, #tpu.memory_space<hbm>>) target(%arg34 : memref<512xi32, #tpu.memory_space<vmem>>) target_semaphore(%arg48 : memref<!tpu.dma_semaphore, #tpu.memory_space<semaphore_mem>>)
    %add3A_50 = arith.constant 196608 : i32
    %add3A_51 = arith.addi %add3A_50, %mul3A_2 : i32
    %dma_start3A_52 = tpu.memref_slice %arg2[%add3A_51] : memref<311296xi32, #tpu.memory_space<hbm>> -> memref<512xi32, #tpu.memory_space<hbm>>
    %dma_start3A_53 = tpu.memref_slice %arg2[%add3A_51] : memref<311296xi32, #tpu.memory_space<hbm>> -> memref<512xi32, #tpu.memory_space<hbm>>
    tpu.enqueue_dma source(%dma_start3A_53 : memref<512xi32, #tpu.memory_space<hbm>>) target(%arg35 : memref<512xi32, #tpu.memory_space<vmem>>) target_semaphore(%arg48 : memref<!tpu.dma_semaphore, #tpu.memory_space<semaphore_mem>>)
    %add3A_54 = arith.constant 212992 : i32
    %add3A_55 = arith.addi %add3A_54, %mul3A_2 : i32
    %dma_start3A_56 = tpu.memref_slice %arg2[%add3A_55] : memref<311296xi32, #tpu.memory_space<hbm>> -> memref<512xi32, #tpu.memory_space<hbm>>
    %dma_start3A_57 = tpu.memref_slice %arg2[%add3A_55] : memref<311296xi32, #tpu.memory_space<hbm>> -> memref<512xi32, #tpu.memory_space<hbm>>
    tpu.enqueue_dma source(%dma_start3A_57 : memref<512xi32, #tpu.memory_space<hbm>>) target(%arg36 : memref<512xi32, #tpu.memory_space<vmem>>) target_semaphore(%arg48 : memref<!tpu.dma_semaphore, #tpu.memory_space<semaphore_mem>>)
    %add3A_58 = arith.constant 229376 : i32
    %add3A_59 = arith.addi %add3A_58, %mul3A_2 : i32
    %dma_start3A_60 = tpu.memref_slice %arg2[%add3A_59] : memref<311296xi32, #tpu.memory_space<hbm>> -> memref<512xi32, #tpu.memory_space<hbm>>
    %dma_start3A_61 = tpu.memref_slice %arg2[%add3A_59] : memref<311296xi32, #tpu.memory_space<hbm>> -> memref<512xi32, #tpu.memory_space<hbm>>
    tpu.enqueue_dma source(%dma_start3A_61 : memref<512xi32, #tpu.memory_space<hbm>>) target(%arg37 : memref<512xi32, #tpu.memory_space<vmem>>) target_semaphore(%arg48 : memref<!tpu.dma_semaphore, #tpu.memory_space<semaphore_mem>>)
    %add3A_62 = arith.constant 245760 : i32
    %add3A_63 = arith.addi %add3A_62, %mul3A_2 : i32
    %dma_start3A_64 = tpu.memref_slice %arg2[%add3A_63] : memref<311296xi32, #tpu.memory_space<hbm>> -> memref<512xi32, #tpu.memory_space<hbm>>
    %dma_start3A_65 = tpu.memref_slice %arg2[%add3A_63] : memref<311296xi32, #tpu.memory_space<hbm>> -> memref<512xi32, #tpu.memory_space<hbm>>
    tpu.enqueue_dma source(%dma_start3A_65 : memref<512xi32, #tpu.memory_space<hbm>>) target(%arg38 : memref<512xi32, #tpu.memory_space<vmem>>) target_semaphore(%arg48 : memref<!tpu.dma_semaphore, #tpu.memory_space<semaphore_mem>>)
    %add3A_66 = arith.constant 262144 : i32
    %add3A_67 = arith.addi %add3A_66, %mul3A_2 : i32
    %dma_start3A_68 = tpu.memref_slice %arg2[%add3A_67] : memref<311296xi32, #tpu.memory_space<hbm>> -> memref<512xi32, #tpu.memory_space<hbm>>
    %dma_start3A_69 = tpu.memref_slice %arg2[%add3A_67] : memref<311296xi32, #tpu.memory_space<hbm>> -> memref<512xi32, #tpu.memory_space<hbm>>
    tpu.enqueue_dma source(%dma_start3A_69 : memref<512xi32, #tpu.memory_space<hbm>>) target(%arg39 : memref<512xi32, #tpu.memory_space<vmem>>) target_semaphore(%arg48 : memref<!tpu.dma_semaphore, #tpu.memory_space<semaphore_mem>>)
    %add3A_70 = arith.constant 278528 : i32
    %add3A_71 = arith.addi %add3A_70, %mul3A_2 : i32
    %dma_start3A_72 = tpu.memref_slice %arg2[%add3A_71] : memref<311296xi32, #tpu.memory_space<hbm>> -> memref<512xi32, #tpu.memory_space<hbm>>
    %dma_start3A_73 = tpu.memref_slice %arg2[%add3A_71] : memref<311296xi32, #tpu.memory_space<hbm>> -> memref<512xi32, #tpu.memory_space<hbm>>
    tpu.enqueue_dma source(%dma_start3A_73 : memref<512xi32, #tpu.memory_space<hbm>>) target(%arg40 : memref<512xi32, #tpu.memory_space<vmem>>) target_semaphore(%arg48 : memref<!tpu.dma_semaphore, #tpu.memory_space<semaphore_mem>>)
    %add3A_74 = arith.constant 294912 : i32
    %add3A_75 = arith.addi %add3A_74, %mul3A_2 : i32
    %dma_start3A_76 = tpu.memref_slice %arg2[%add3A_75] : memref<311296xi32, #tpu.memory_space<hbm>> -> memref<512xi32, #tpu.memory_space<hbm>>
    %dma_start3A_77 = tpu.memref_slice %arg2[%add3A_75] : memref<311296xi32, #tpu.memory_space<hbm>> -> memref<512xi32, #tpu.memory_space<hbm>>
    tpu.enqueue_dma source(%dma_start3A_77 : memref<512xi32, #tpu.memory_space<hbm>>) target(%arg41 : memref<512xi32, #tpu.memory_space<vmem>>) target_semaphore(%arg48 : memref<!tpu.dma_semaphore, #tpu.memory_space<semaphore_mem>>)
    %dma_wait3A = tpu.memref_slice %arg2[%add3A_4] : memref<311296xi32, #tpu.memory_space<hbm>> -> memref<512xi32, #tpu.memory_space<hbm>>
    %dma_wait3A_78 = tpu.memref_slice %arg2[%add3A_4] : memref<311296xi32, #tpu.memory_space<hbm>> -> memref<512xi32, #tpu.memory_space<hbm>>
    tpu.wait_dma2 semaphore(%arg48 : memref<!tpu.dma_semaphore, #tpu.memory_space<semaphore_mem>>) src(%dma_wait3A_78 : memref<512xi32, #tpu.memory_space<hbm>>) dst(%arg23 : memref<512xi32, #tpu.memory_space<vmem>>)
    %dma_wait3A_79 = tpu.memref_slice %arg2[%add3A_7] : memref<311296xi32, #tpu.memory_space<hbm>> -> memref<512xi32, #tpu.memory_space<hbm>>
    %dma_wait3A_80 = tpu.memref_slice %arg2[%add3A_7] : memref<311296xi32, #tpu.memory_space<hbm>> -> memref<512xi32, #tpu.memory_space<hbm>>
    tpu.wait_dma2 semaphore(%arg48 : memref<!tpu.dma_semaphore, #tpu.memory_space<semaphore_mem>>) src(%dma_wait3A_80 : memref<512xi32, #tpu.memory_space<hbm>>) dst(%arg24 : memref<512xi32, #tpu.memory_space<vmem>>)
    %dma_wait3A_81 = tpu.memref_slice %arg2[%add3A_11] : memref<311296xi32, #tpu.memory_space<hbm>> -> memref<512xi32, #tpu.memory_space<hbm>>
    %dma_wait3A_82 = tpu.memref_slice %arg2[%add3A_11] : memref<311296xi32, #tpu.memory_space<hbm>> -> memref<512xi32, #tpu.memory_space<hbm>>
    tpu.wait_dma2 semaphore(%arg48 : memref<!tpu.dma_semaphore, #tpu.memory_space<semaphore_mem>>) src(%dma_wait3A_82 : memref<512xi32, #tpu.memory_space<hbm>>) dst(%arg25 : memref<512xi32, #tpu.memory_space<vmem>>)
    %dma_wait3A_83 = tpu.memref_slice %arg2[%add3A_15] : memref<311296xi32, #tpu.memory_space<hbm>> -> memref<512xi32, #tpu.memory_space<hbm>>
    %dma_wait3A_84 = tpu.memref_slice %arg2[%add3A_15] : memref<311296xi32, #tpu.memory_space<hbm>> -> memref<512xi32, #tpu.memory_space<hbm>>
    tpu.wait_dma2 semaphore(%arg48 : memref<!tpu.dma_semaphore, #tpu.memory_space<semaphore_mem>>) src(%dma_wait3A_84 : memref<512xi32, #tpu.memory_space<hbm>>) dst(%arg26 : memref<512xi32, #tpu.memory_space<vmem>>)
    %dma_wait3A_85 = tpu.memref_slice %arg2[%add3A_19] : memref<311296xi32, #tpu.memory_space<hbm>> -> memref<512xi32, #tpu.memory_space<hbm>>
    %dma_wait3A_86 = tpu.memref_slice %arg2[%add3A_19] : memref<311296xi32, #tpu.memory_space<hbm>> -> memref<512xi32, #tpu.memory_space<hbm>>
    tpu.wait_dma2 semaphore(%arg48 : memref<!tpu.dma_semaphore, #tpu.memory_space<semaphore_mem>>) src(%dma_wait3A_86 : memref<512xi32, #tpu.memory_space<hbm>>) dst(%arg27 : memref<512xi32, #tpu.memory_space<vmem>>)
    %dma_wait3A_87 = tpu.memref_slice %arg2[%add3A_23] : memref<311296xi32, #tpu.memory_space<hbm>> -> memref<512xi32, #tpu.memory_space<hbm>>
    %dma_wait3A_88 = tpu.memref_slice %arg2[%add3A_23] : memref<311296xi32, #tpu.memory_space<hbm>> -> memref<512xi32, #tpu.memory_space<hbm>>
    tpu.wait_dma2 semaphore(%arg48 : memref<!tpu.dma_semaphore, #tpu.memory_space<semaphore_mem>>) src(%dma_wait3A_88 : memref<512xi32, #tpu.memory_space<hbm>>) dst(%arg28 : memref<512xi32, #tpu.memory_space<vmem>>)
    %dma_wait3A_89 = tpu.memref_slice %arg2[%add3A_27] : memref<311296xi32, #tpu.memory_space<hbm>> -> memref<512xi32, #tpu.memory_space<hbm>>
    %dma_wait3A_90 = tpu.memref_slice %arg2[%add3A_27] : memref<311296xi32, #tpu.memory_space<hbm>> -> memref<512xi32, #tpu.memory_space<hbm>>
    tpu.wait_dma2 semaphore(%arg48 : memref<!tpu.dma_semaphore, #tpu.memory_space<semaphore_mem>>) src(%dma_wait3A_90 : memref<512xi32, #tpu.memory_space<hbm>>) dst(%arg29 : memref<512xi32, #tpu.memory_space<vmem>>)
    %dma_wait3A_91 = tpu.memref_slice %arg2[%add3A_31] : memref<311296xi32, #tpu.memory_space<hbm>> -> memref<512xi32, #tpu.memory_space<hbm>>
    %dma_wait3A_92 = tpu.memref_slice %arg2[%add3A_31] : memref<311296xi32, #tpu.memory_space<hbm>> -> memref<512xi32, #tpu.memory_space<hbm>>
    tpu.wait_dma2 semaphore(%arg48 : memref<!tpu.dma_semaphore, #tpu.memory_space<semaphore_mem>>) src(%dma_wait3A_92 : memref<512xi32, #tpu.memory_space<hbm>>) dst(%arg30 : memref<512xi32, #tpu.memory_space<vmem>>)
    %dma_wait3A_93 = tpu.memref_slice %arg2[%add3A_35] : memref<311296xi32, #tpu.memory_space<hbm>> -> memref<512xi32, #tpu.memory_space<hbm>>
    %dma_wait3A_94 = tpu.memref_slice %arg2[%add3A_35] : memref<311296xi32, #tpu.memory_space<hbm>> -> memref<512xi32, #tpu.memory_space<hbm>>
    tpu.wait_dma2 semaphore(%arg48 : memref<!tpu.dma_semaphore, #tpu.memory_space<semaphore_mem>>) src(%dma_wait3A_94 : memref<512xi32, #tpu.memory_space<hbm>>) dst(%arg31 : memref<512xi32, #tpu.memory_space<vmem>>)
    %dma_wait3A_95 = tpu.memref_slice %arg2[%add3A_39] : memref<311296xi32, #tpu.memory_space<hbm>> -> memref<512xi32, #tpu.memory_space<hbm>>
    %dma_wait3A_96 = tpu.memref_slice %arg2[%add3A_39] : memref<311296xi32, #tpu.memory_space<hbm>> -> memref<512xi32, #tpu.memory_space<hbm>>
    tpu.wait_dma2 semaphore(%arg48 : memref<!tpu.dma_semaphore, #tpu.memory_space<semaphore_mem>>) src(%dma_wait3A_96 : memref<512xi32, #tpu.memory_space<hbm>>) dst(%arg32 : memref<512xi32, #tpu.memory_space<vmem>>)
    %dma_wait3A_97 = tpu.memref_slice %arg2[%add3A_43] : memref<311296xi32, #tpu.memory_space<hbm>> -> memref<512xi32, #tpu.memory_space<hbm>>
    %dma_wait3A_98 = tpu.memref_slice %arg2[%add3A_43] : memref<311296xi32, #tpu.memory_space<hbm>> -> memref<512xi32, #tpu.memory_space<hbm>>
    tpu.wait_dma2 semaphore(%arg48 : memref<!tpu.dma_semaphore, #tpu.memory_space<semaphore_mem>>) src(%dma_wait3A_98 : memref<512xi32, #tpu.memory_space<hbm>>) dst(%arg33 : memref<512xi32, #tpu.memory_space<vmem>>)
    %dma_wait3A_99 = tpu.memref_slice %arg2[%add3A_47] : memref<311296xi32, #tpu.memory_space<hbm>> -> memref<512xi32, #tpu.memory_space<hbm>>
    %dma_wait3A_100 = tpu.memref_slice %arg2[%add3A_47] : memref<311296xi32, #tpu.memory_space<hbm>> -> memref<512xi32, #tpu.memory_space<hbm>>
    tpu.wait_dma2 semaphore(%arg48 : memref<!tpu.dma_semaphore, #tpu.memory_space<semaphore_mem>>) src(%dma_wait3A_100 : memref<512xi32, #tpu.memory_space<hbm>>) dst(%arg34 : memref<512xi32, #tpu.memory_space<vmem>>)
    %dma_wait3A_101 = tpu.memref_slice %arg2[%add3A_51] : memref<311296xi32, #tpu.memory_space<hbm>> -> memref<512xi32, #tpu.memory_space<hbm>>
    %dma_wait3A_102 = tpu.memref_slice %arg2[%add3A_51] : memref<311296xi32, #tpu.memory_space<hbm>> -> memref<512xi32, #tpu.memory_space<hbm>>
    tpu.wait_dma2 semaphore(%arg48 : memref<!tpu.dma_semaphore, #tpu.memory_space<semaphore_mem>>) src(%dma_wait3A_102 : memref<512xi32, #tpu.memory_space<hbm>>) dst(%arg35 : memref<512xi32, #tpu.memory_space<vmem>>)
    %dma_wait3A_103 = tpu.memref_slice %arg2[%add3A_55] : memref<311296xi32, #tpu.memory_space<hbm>> -> memref<512xi32, #tpu.memory_space<hbm>>
    %dma_wait3A_104 = tpu.memref_slice %arg2[%add3A_55] : memref<311296xi32, #tpu.memory_space<hbm>> -> memref<512xi32, #tpu.memory_space<hbm>>
    tpu.wait_dma2 semaphore(%arg48 : memref<!tpu.dma_semaphore, #tpu.memory_space<semaphore_mem>>) src(%dma_wait3A_104 : memref<512xi32, #tpu.memory_space<hbm>>) dst(%arg36 : memref<512xi32, #tpu.memory_space<vmem>>)
    %dma_wait3A_105 = tpu.memref_slice %arg2[%add3A_59] : memref<311296xi32, #tpu.memory_space<hbm>> -> memref<512xi32, #tpu.memory_space<hbm>>
    %dma_wait3A_106 = tpu.memref_slice %arg2[%add3A_59] : memref<311296xi32, #tpu.memory_space<hbm>> -> memref<512xi32, #tpu.memory_space<hbm>>
    tpu.wait_dma2 semaphore(%arg48 : memref<!tpu.dma_semaphore, #tpu.memory_space<semaphore_mem>>) src(%dma_wait3A_106 : memref<512xi32, #tpu.memory_space<hbm>>) dst(%arg37 : memref<512xi32, #tpu.memory_space<vmem>>)
    %dma_wait3A_107 = tpu.memref_slice %arg2[%add3A_63] : memref<311296xi32, #tpu.memory_space<hbm>> -> memref<512xi32, #tpu.memory_space<hbm>>
    %dma_wait3A_108 = tpu.memref_slice %arg2[%add3A_63] : memref<311296xi32, #tpu.memory_space<hbm>> -> memref<512xi32, #tpu.memory_space<hbm>>
    tpu.wait_dma2 semaphore(%arg48 : memref<!tpu.dma_semaphore, #tpu.memory_space<semaphore_mem>>) src(%dma_wait3A_108 : memref<512xi32, #tpu.memory_space<hbm>>) dst(%arg38 : memref<512xi32, #tpu.memory_space<vmem>>)
    %dma_wait3A_109 = tpu.memref_slice %arg2[%add3A_67] : memref<311296xi32, #tpu.memory_space<hbm>> -> memref<512xi32, #tpu.memory_space<hbm>>
    %dma_wait3A_110 = tpu.memref_slice %arg2[%add3A_67] : memref<311296xi32, #tpu.memory_space<hbm>> -> memref<512xi32, #tpu.memory_space<hbm>>
    tpu.wait_dma2 semaphore(%arg48 : memref<!tpu.dma_semaphore, #tpu.memory_space<semaphore_mem>>) src(%dma_wait3A_110 : memref<512xi32, #tpu.memory_space<hbm>>) dst(%arg39 : memref<512xi32, #tpu.memory_space<vmem>>)
    %dma_wait3A_111 = tpu.memref_slice %arg2[%add3A_71] : memref<311296xi32, #tpu.memory_space<hbm>> -> memref<512xi32, #tpu.memory_space<hbm>>
    %dma_wait3A_112 = tpu.memref_slice %arg2[%add3A_71] : memref<311296xi32, #tpu.memory_space<hbm>> -> memref<512xi32, #tpu.memory_space<hbm>>
    tpu.wait_dma2 semaphore(%arg48 : memref<!tpu.dma_semaphore, #tpu.memory_space<semaphore_mem>>) src(%dma_wait3A_112 : memref<512xi32, #tpu.memory_space<hbm>>) dst(%arg40 : memref<512xi32, #tpu.memory_space<vmem>>)
    %dma_wait3A_113 = tpu.memref_slice %arg2[%add3A_75] : memref<311296xi32, #tpu.memory_space<hbm>> -> memref<512xi32, #tpu.memory_space<hbm>>
    %dma_wait3A_114 = tpu.memref_slice %arg2[%add3A_75] : memref<311296xi32, #tpu.memory_space<hbm>> -> memref<512xi32, #tpu.memory_space<hbm>>
    tpu.wait_dma2 semaphore(%arg48 : memref<!tpu.dma_semaphore, #tpu.memory_space<semaphore_mem>>) src(%dma_wait3A_114 : memref<512xi32, #tpu.memory_space<hbm>>) dst(%arg41 : memref<512xi32, #tpu.memory_space<vmem>>)
    %dma_start3A_115 = arith.constant 0 : i32
    %dma_start3A_116 = arith.constant 0 : i32
    %dma_start3A_117 = tpu.memref_slice %arg3[%dma_start3A_115, %dma_start3A_116] : memref<100001x32xf32, #tpu.memory_space<hbm>> -> memref<100001x32xf32, #tpu.memory_space<hbm>>
    tpu.enqueue_indirect_dma source(%dma_start3A_117 : memref<100001x32xf32, #tpu.memory_space<hbm>>) target(%arg42 : memref<512x32xf32, #tpu.memory_space<vmem>>) offsets(%arg23 : memref<512xi32, #tpu.memory_space<vmem>>) semaphore(%arg49 : memref<!tpu.dma_semaphore, #tpu.memory_space<semaphore_mem>>)
    %dma_start3A_118 = arith.constant 0 : i32
    %dma_start3A_119 = arith.constant 0 : i32
    %dma_start3A_120 = tpu.memref_slice %arg4[%dma_start3A_118, %dma_start3A_119] : memref<100001x32xf32, #tpu.memory_space<hbm>> -> memref<100001x32xf32, #tpu.memory_space<hbm>>
    tpu.enqueue_indirect_dma source(%dma_start3A_120 : memref<100001x32xf32, #tpu.memory_space<hbm>>) target(%arg43 : memref<512x32xf32, #tpu.memory_space<vmem>>) offsets(%arg24 : memref<512xi32, #tpu.memory_space<vmem>>) semaphore(%arg49 : memref<!tpu.dma_semaphore, #tpu.memory_space<semaphore_mem>>)
    %dma_start3A_121 = arith.constant 0 : i32
    %dma_start3A_122 = arith.constant 0 : i32
    %dma_start3A_123 = tpu.memref_slice %arg5[%dma_start3A_121, %dma_start3A_122] : memref<100001x32xf32, #tpu.memory_space<hbm>> -> memref<100001x32xf32, #tpu.memory_space<hbm>>
    tpu.enqueue_indirect_dma source(%dma_start3A_123 : memref<100001x32xf32, #tpu.memory_space<hbm>>) target(%arg44 : memref<512x32xf32, #tpu.memory_space<vmem>>) offsets(%arg25 : memref<512xi32, #tpu.memory_space<vmem>>) semaphore(%arg49 : memref<!tpu.dma_semaphore, #tpu.memory_space<semaphore_mem>>)
    %dma_start3A_124 = arith.constant 0 : i32
    %dma_start3A_125 = arith.constant 0 : i32
    %dma_start3A_126 = tpu.memref_slice %arg6[%dma_start3A_124, %dma_start3A_125] : memref<100001x32xf32, #tpu.memory_space<hbm>> -> memref<100001x32xf32, #tpu.memory_space<hbm>>
    tpu.enqueue_indirect_dma source(%dma_start3A_126 : memref<100001x32xf32, #tpu.memory_space<hbm>>) target(%arg45 : memref<512x32xf32, #tpu.memory_space<vmem>>) offsets(%arg26 : memref<512xi32, #tpu.memory_space<vmem>>) semaphore(%arg49 : memref<!tpu.dma_semaphore, #tpu.memory_space<semaphore_mem>>)
    %dma_start3A_127 = arith.constant 0 : i32
    %dma_start3A_128 = arith.constant 0 : i32
    %dma_start3A_129 = tpu.memref_slice %arg7[%dma_start3A_127, %dma_start3A_128] : memref<100001x32xf32, #tpu.memory_space<hbm>> -> memref<100001x32xf32, #tpu.memory_space<hbm>>
    tpu.enqueue_indirect_dma source(%dma_start3A_129 : memref<100001x32xf32, #tpu.memory_space<hbm>>) target(%arg46 : memref<512x32xf32, #tpu.memory_space<vmem>>) offsets(%arg27 : memref<512xi32, #tpu.memory_space<vmem>>) semaphore(%arg49 : memref<!tpu.dma_semaphore, #tpu.memory_space<semaphore_mem>>)
    %dma_start3A_130 = arith.constant 0 : i32
    %dma_start3A_131 = arith.constant 0 : i32
    %dma_start3A_132 = tpu.memref_slice %arg8[%dma_start3A_130, %dma_start3A_131] : memref<100002x32xf32, #tpu.memory_space<hbm>> -> memref<100002x32xf32, #tpu.memory_space<hbm>>
    tpu.enqueue_indirect_dma source(%dma_start3A_132 : memref<100002x32xf32, #tpu.memory_space<hbm>>) target(%arg47 : memref<512x32xf32, #tpu.memory_space<vmem>>) offsets(%arg28 : memref<512xi32, #tpu.memory_space<vmem>>) semaphore(%arg49 : memref<!tpu.dma_semaphore, #tpu.memory_space<semaphore_mem>>)
    %dma_wait3A_133 = arith.constant 0 : i32
    %dma_wait3A_134 = arith.constant 0 : i32
    %dma_wait3A_135 = tpu.memref_slice %arg3[%dma_wait3A_133, %dma_wait3A_134] : memref<100001x32xf32, #tpu.memory_space<hbm>> -> memref<100001x32xf32, #tpu.memory_space<hbm>>
    tpu.wait_indirect_dma semaphore(%arg49 : memref<!tpu.dma_semaphore, #tpu.memory_space<semaphore_mem>>) src(%dma_wait3A_135 : memref<100001x32xf32, #tpu.memory_space<hbm>>) dst(%arg42 : memref<512x32xf32, #tpu.memory_space<vmem>>)
    %dma_start3A_136 = arith.constant 0 : i32
    %dma_start3A_137 = tpu.memref_slice %arg22[%mul3A_2, %dma_start3A_136] : memref<16384x608xf32, #tpu.memory_space<hbm>> -> memref<512x32xf32, #tpu.memory_space<hbm>>
    %dma_start3A_138 = arith.constant 0 : i32
    %dma_start3A_139 = tpu.memref_slice %arg22[%mul3A_2, %dma_start3A_138] : memref<16384x608xf32, #tpu.memory_space<hbm>> -> memref<512x32xf32, #tpu.memory_space<hbm>>
    tpu.enqueue_dma source(%arg42 : memref<512x32xf32, #tpu.memory_space<vmem>>) target(%dma_start3A_139 : memref<512x32xf32, #tpu.memory_space<hbm>>) target_semaphore(%arg50 : memref<!tpu.dma_semaphore, #tpu.memory_space<semaphore_mem>>)
    %dma_wait3A_140 = arith.constant 0 : i32
    %dma_wait3A_141 = tpu.memref_slice %arg22[%mul3A_2, %dma_wait3A_140] : memref<16384x608xf32, #tpu.memory_space<hbm>> -> memref<512x32xf32, #tpu.memory_space<hbm>>
    %dma_wait3A_142 = arith.constant 0 : i32
    %dma_wait3A_143 = tpu.memref_slice %arg22[%mul3A_2, %dma_wait3A_142] : memref<16384x608xf32, #tpu.memory_space<hbm>> -> memref<512x32xf32, #tpu.memory_space<hbm>>
    tpu.wait_dma2 semaphore(%arg50 : memref<!tpu.dma_semaphore, #tpu.memory_space<semaphore_mem>>) src(%arg42 : memref<512x32xf32, #tpu.memory_space<vmem>>) dst(%dma_wait3A_143 : memref<512x32xf32, #tpu.memory_space<hbm>>)
    %dma_start3A_144 = arith.constant 0 : i32
    %dma_start3A_145 = arith.constant 0 : i32
    %dma_start3A_146 = tpu.memref_slice %arg9[%dma_start3A_144, %dma_start3A_145] : memref<100001x32xf32, #tpu.memory_space<hbm>> -> memref<100001x32xf32, #tpu.memory_space<hbm>>
    tpu.enqueue_indirect_dma source(%dma_start3A_146 : memref<100001x32xf32, #tpu.memory_space<hbm>>) target(%arg42 : memref<512x32xf32, #tpu.memory_space<vmem>>) offsets(%arg29 : memref<512xi32, #tpu.memory_space<vmem>>) semaphore(%arg49 : memref<!tpu.dma_semaphore, #tpu.memory_space<semaphore_mem>>)
    %dma_wait3A_147 = arith.constant 0 : i32
    %dma_wait3A_148 = arith.constant 0 : i32
    %dma_wait3A_149 = tpu.memref_slice %arg4[%dma_wait3A_147, %dma_wait3A_148] : memref<100001x32xf32, #tpu.memory_space<hbm>> -> memref<100001x32xf32, #tpu.memory_space<hbm>>
    tpu.wait_indirect_dma semaphore(%arg49 : memref<!tpu.dma_semaphore, #tpu.memory_space<semaphore_mem>>) src(%dma_wait3A_149 : memref<100001x32xf32, #tpu.memory_space<hbm>>) dst(%arg43 : memref<512x32xf32, #tpu.memory_space<vmem>>)
    %dma_start3A_150 = arith.constant 32 : i32
    %dma_start3A_151 = tpu.memref_slice %arg22[%mul3A_2, %dma_start3A_150] : memref<16384x608xf32, #tpu.memory_space<hbm>> -> memref<512x32xf32, #tpu.memory_space<hbm>>
    %dma_start3A_152 = arith.constant 32 : i32
    %dma_start3A_153 = tpu.memref_slice %arg22[%mul3A_2, %dma_start3A_152] : memref<16384x608xf32, #tpu.memory_space<hbm>> -> memref<512x32xf32, #tpu.memory_space<hbm>>
    tpu.enqueue_dma source(%arg43 : memref<512x32xf32, #tpu.memory_space<vmem>>) target(%dma_start3A_153 : memref<512x32xf32, #tpu.memory_space<hbm>>) target_semaphore(%arg50 : memref<!tpu.dma_semaphore, #tpu.memory_space<semaphore_mem>>)
    %dma_wait3A_154 = arith.constant 32 : i32
    %dma_wait3A_155 = tpu.memref_slice %arg22[%mul3A_2, %dma_wait3A_154] : memref<16384x608xf32, #tpu.memory_space<hbm>> -> memref<512x32xf32, #tpu.memory_space<hbm>>
    %dma_wait3A_156 = arith.constant 32 : i32
    %dma_wait3A_157 = tpu.memref_slice %arg22[%mul3A_2, %dma_wait3A_156] : memref<16384x608xf32, #tpu.memory_space<hbm>> -> memref<512x32xf32, #tpu.memory_space<hbm>>
    tpu.wait_dma2 semaphore(%arg50 : memref<!tpu.dma_semaphore, #tpu.memory_space<semaphore_mem>>) src(%arg43 : memref<512x32xf32, #tpu.memory_space<vmem>>) dst(%dma_wait3A_157 : memref<512x32xf32, #tpu.memory_space<hbm>>)
    %dma_start3A_158 = arith.constant 0 : i32
    %dma_start3A_159 = arith.constant 0 : i32
    %dma_start3A_160 = tpu.memref_slice %arg10[%dma_start3A_158, %dma_start3A_159] : memref<100002x32xf32, #tpu.memory_space<hbm>> -> memref<100002x32xf32, #tpu.memory_space<hbm>>
    tpu.enqueue_indirect_dma source(%dma_start3A_160 : memref<100002x32xf32, #tpu.memory_space<hbm>>) target(%arg43 : memref<512x32xf32, #tpu.memory_space<vmem>>) offsets(%arg30 : memref<512xi32, #tpu.memory_space<vmem>>) semaphore(%arg49 : memref<!tpu.dma_semaphore, #tpu.memory_space<semaphore_mem>>)
    %dma_wait3A_161 = arith.constant 0 : i32
    %dma_wait3A_162 = arith.constant 0 : i32
    %dma_wait3A_163 = tpu.memref_slice %arg5[%dma_wait3A_161, %dma_wait3A_162] : memref<100001x32xf32, #tpu.memory_space<hbm>> -> memref<100001x32xf32, #tpu.memory_space<hbm>>
    tpu.wait_indirect_dma semaphore(%arg49 : memref<!tpu.dma_semaphore, #tpu.memory_space<semaphore_mem>>) src(%dma_wait3A_163 : memref<100001x32xf32, #tpu.memory_space<hbm>>) dst(%arg44 : memref<512x32xf32, #tpu.memory_space<vmem>>)
    %dma_start3A_164 = arith.constant 64 : i32
    %dma_start3A_165 = tpu.memref_slice %arg22[%mul3A_2, %dma_start3A_164] : memref<16384x608xf32, #tpu.memory_space<hbm>> -> memref<512x32xf32, #tpu.memory_space<hbm>>
    %dma_start3A_166 = arith.constant 64 : i32
    %dma_start3A_167 = tpu.memref_slice %arg22[%mul3A_2, %dma_start3A_166] : memref<16384x608xf32, #tpu.memory_space<hbm>> -> memref<512x32xf32, #tpu.memory_space<hbm>>
    tpu.enqueue_dma source(%arg44 : memref<512x32xf32, #tpu.memory_space<vmem>>) target(%dma_start3A_167 : memref<512x32xf32, #tpu.memory_space<hbm>>) target_semaphore(%arg50 : memref<!tpu.dma_semaphore, #tpu.memory_space<semaphore_mem>>)
    %dma_wait3A_168 = arith.constant 64 : i32
    %dma_wait3A_169 = tpu.memref_slice %arg22[%mul3A_2, %dma_wait3A_168] : memref<16384x608xf32, #tpu.memory_space<hbm>> -> memref<512x32xf32, #tpu.memory_space<hbm>>
    %dma_wait3A_170 = arith.constant 64 : i32
    %dma_wait3A_171 = tpu.memref_slice %arg22[%mul3A_2, %dma_wait3A_170] : memref<16384x608xf32, #tpu.memory_space<hbm>> -> memref<512x32xf32, #tpu.memory_space<hbm>>
    tpu.wait_dma2 semaphore(%arg50 : memref<!tpu.dma_semaphore, #tpu.memory_space<semaphore_mem>>) src(%arg44 : memref<512x32xf32, #tpu.memory_space<vmem>>) dst(%dma_wait3A_171 : memref<512x32xf32, #tpu.memory_space<hbm>>)
    %dma_start3A_172 = arith.constant 0 : i32
    %dma_start3A_173 = arith.constant 0 : i32
    %dma_start3A_174 = tpu.memref_slice %arg11[%dma_start3A_172, %dma_start3A_173] : memref<100001x32xf32, #tpu.memory_space<hbm>> -> memref<100001x32xf32, #tpu.memory_space<hbm>>
    tpu.enqueue_indirect_dma source(%dma_start3A_174 : memref<100001x32xf32, #tpu.memory_space<hbm>>) target(%arg44 : memref<512x32xf32, #tpu.memory_space<vmem>>) offsets(%arg31 : memref<512xi32, #tpu.memory_space<vmem>>) semaphore(%arg49 : memref<!tpu.dma_semaphore, #tpu.memory_space<semaphore_mem>>)
    %dma_wait3A_175 = arith.constant 0 : i32
    %dma_wait3A_176 = arith.constant 0 : i32
    %dma_wait3A_177 = tpu.memref_slice %arg6[%dma_wait3A_175, %dma_wait3A_176] : memref<100001x32xf32, #tpu.memory_space<hbm>> -> memref<100001x32xf32, #tpu.memory_space<hbm>>
    tpu.wait_indirect_dma semaphore(%arg49 : memref<!tpu.dma_semaphore, #tpu.memory_space<semaphore_mem>>) src(%dma_wait3A_177 : memref<100001x32xf32, #tpu.memory_space<hbm>>) dst(%arg45 : memref<512x32xf32, #tpu.memory_space<vmem>>)
    %dma_start3A_178 = arith.constant 96 : i32
    %dma_start3A_179 = tpu.memref_slice %arg22[%mul3A_2, %dma_start3A_178] : memref<16384x608xf32, #tpu.memory_space<hbm>> -> memref<512x32xf32, #tpu.memory_space<hbm>>
    %dma_start3A_180 = arith.constant 96 : i32
    %dma_start3A_181 = tpu.memref_slice %arg22[%mul3A_2, %dma_start3A_180] : memref<16384x608xf32, #tpu.memory_space<hbm>> -> memref<512x32xf32, #tpu.memory_space<hbm>>
    tpu.enqueue_dma source(%arg45 : memref<512x32xf32, #tpu.memory_space<vmem>>) target(%dma_start3A_181 : memref<512x32xf32, #tpu.memory_space<hbm>>) target_semaphore(%arg50 : memref<!tpu.dma_semaphore, #tpu.memory_space<semaphore_mem>>)
    %dma_wait3A_182 = arith.constant 96 : i32
    %dma_wait3A_183 = tpu.memref_slice %arg22[%mul3A_2, %dma_wait3A_182] : memref<16384x608xf32, #tpu.memory_space<hbm>> -> memref<512x32xf32, #tpu.memory_space<hbm>>
    %dma_wait3A_184 = arith.constant 96 : i32
    %dma_wait3A_185 = tpu.memref_slice %arg22[%mul3A_2, %dma_wait3A_184] : memref<16384x608xf32, #tpu.memory_space<hbm>> -> memref<512x32xf32, #tpu.memory_space<hbm>>
    tpu.wait_dma2 semaphore(%arg50 : memref<!tpu.dma_semaphore, #tpu.memory_space<semaphore_mem>>) src(%arg45 : memref<512x32xf32, #tpu.memory_space<vmem>>) dst(%dma_wait3A_185 : memref<512x32xf32, #tpu.memory_space<hbm>>)
    %dma_start3A_186 = arith.constant 0 : i32
    %dma_start3A_187 = arith.constant 0 : i32
    %dma_start3A_188 = tpu.memref_slice %arg12[%dma_start3A_186, %dma_start3A_187] : memref<100001x32xf32, #tpu.memory_space<hbm>> -> memref<100001x32xf32, #tpu.memory_space<hbm>>
    tpu.enqueue_indirect_dma source(%dma_start3A_188 : memref<100001x32xf32, #tpu.memory_space<hbm>>) target(%arg45 : memref<512x32xf32, #tpu.memory_space<vmem>>) offsets(%arg32 : memref<512xi32, #tpu.memory_space<vmem>>) semaphore(%arg49 : memref<!tpu.dma_semaphore, #tpu.memory_space<semaphore_mem>>)
    %dma_wait3A_189 = arith.constant 0 : i32
    %dma_wait3A_190 = arith.constant 0 : i32
    %dma_wait3A_191 = tpu.memref_slice %arg7[%dma_wait3A_189, %dma_wait3A_190] : memref<100001x32xf32, #tpu.memory_space<hbm>> -> memref<100001x32xf32, #tpu.memory_space<hbm>>
    tpu.wait_indirect_dma semaphore(%arg49 : memref<!tpu.dma_semaphore, #tpu.memory_space<semaphore_mem>>) src(%dma_wait3A_191 : memref<100001x32xf32, #tpu.memory_space<hbm>>) dst(%arg46 : memref<512x32xf32, #tpu.memory_space<vmem>>)
    %dma_start3A_192 = arith.constant 128 : i32
    %dma_start3A_193 = tpu.memref_slice %arg22[%mul3A_2, %dma_start3A_192] : memref<16384x608xf32, #tpu.memory_space<hbm>> -> memref<512x32xf32, #tpu.memory_space<hbm>>
    %dma_start3A_194 = arith.constant 128 : i32
    %dma_start3A_195 = tpu.memref_slice %arg22[%mul3A_2, %dma_start3A_194] : memref<16384x608xf32, #tpu.memory_space<hbm>> -> memref<512x32xf32, #tpu.memory_space<hbm>>
    tpu.enqueue_dma source(%arg46 : memref<512x32xf32, #tpu.memory_space<vmem>>) target(%dma_start3A_195 : memref<512x32xf32, #tpu.memory_space<hbm>>) target_semaphore(%arg50 : memref<!tpu.dma_semaphore, #tpu.memory_space<semaphore_mem>>)
    %dma_wait3A_196 = arith.constant 128 : i32
    %dma_wait3A_197 = tpu.memref_slice %arg22[%mul3A_2, %dma_wait3A_196] : memref<16384x608xf32, #tpu.memory_space<hbm>> -> memref<512x32xf32, #tpu.memory_space<hbm>>
    %dma_wait3A_198 = arith.constant 128 : i32
    %dma_wait3A_199 = tpu.memref_slice %arg22[%mul3A_2, %dma_wait3A_198] : memref<16384x608xf32, #tpu.memory_space<hbm>> -> memref<512x32xf32, #tpu.memory_space<hbm>>
    tpu.wait_dma2 semaphore(%arg50 : memref<!tpu.dma_semaphore, #tpu.memory_space<semaphore_mem>>) src(%arg46 : memref<512x32xf32, #tpu.memory_space<vmem>>) dst(%dma_wait3A_199 : memref<512x32xf32, #tpu.memory_space<hbm>>)
    %dma_start3A_200 = arith.constant 0 : i32
    %dma_start3A_201 = arith.constant 0 : i32
    %dma_start3A_202 = tpu.memref_slice %arg13[%dma_start3A_200, %dma_start3A_201] : memref<100001x32xf32, #tpu.memory_space<hbm>> -> memref<100001x32xf32, #tpu.memory_space<hbm>>
    tpu.enqueue_indirect_dma source(%dma_start3A_202 : memref<100001x32xf32, #tpu.memory_space<hbm>>) target(%arg46 : memref<512x32xf32, #tpu.memory_space<vmem>>) offsets(%arg33 : memref<512xi32, #tpu.memory_space<vmem>>) semaphore(%arg49 : memref<!tpu.dma_semaphore, #tpu.memory_space<semaphore_mem>>)
    %dma_wait3A_203 = arith.constant 0 : i32
    %dma_wait3A_204 = arith.constant 0 : i32
    %dma_wait3A_205 = tpu.memref_slice %arg8[%dma_wait3A_203, %dma_wait3A_204] : memref<100002x32xf32, #tpu.memory_space<hbm>> -> memref<100002x32xf32, #tpu.memory_space<hbm>>
    tpu.wait_indirect_dma semaphore(%arg49 : memref<!tpu.dma_semaphore, #tpu.memory_space<semaphore_mem>>) src(%dma_wait3A_205 : memref<100002x32xf32, #tpu.memory_space<hbm>>) dst(%arg47 : memref<512x32xf32, #tpu.memory_space<vmem>>)
    %dma_start3A_206 = arith.constant 160 : i32
    %dma_start3A_207 = tpu.memref_slice %arg22[%mul3A_2, %dma_start3A_206] : memref<16384x608xf32, #tpu.memory_space<hbm>> -> memref<512x32xf32, #tpu.memory_space<hbm>>
    %dma_start3A_208 = arith.constant 160 : i32
    %dma_start3A_209 = tpu.memref_slice %arg22[%mul3A_2, %dma_start3A_208] : memref<16384x608xf32, #tpu.memory_space<hbm>> -> memref<512x32xf32, #tpu.memory_space<hbm>>
    tpu.enqueue_dma source(%arg47 : memref<512x32xf32, #tpu.memory_space<vmem>>) target(%dma_start3A_209 : memref<512x32xf32, #tpu.memory_space<hbm>>) target_semaphore(%arg50 : memref<!tpu.dma_semaphore, #tpu.memory_space<semaphore_mem>>)
    %dma_wait3A_210 = arith.constant 160 : i32
    %dma_wait3A_211 = tpu.memref_slice %arg22[%mul3A_2, %dma_wait3A_210] : memref<16384x608xf32, #tpu.memory_space<hbm>> -> memref<512x32xf32, #tpu.memory_space<hbm>>
    %dma_wait3A_212 = arith.constant 160 : i32
    %dma_wait3A_213 = tpu.memref_slice %arg22[%mul3A_2, %dma_wait3A_212] : memref<16384x608xf32, #tpu.memory_space<hbm>> -> memref<512x32xf32, #tpu.memory_space<hbm>>
    tpu.wait_dma2 semaphore(%arg50 : memref<!tpu.dma_semaphore, #tpu.memory_space<semaphore_mem>>) src(%arg47 : memref<512x32xf32, #tpu.memory_space<vmem>>) dst(%dma_wait3A_213 : memref<512x32xf32, #tpu.memory_space<hbm>>)
    %dma_start3A_214 = arith.constant 0 : i32
    %dma_start3A_215 = arith.constant 0 : i32
    %dma_start3A_216 = tpu.memref_slice %arg14[%dma_start3A_214, %dma_start3A_215] : memref<100001x32xf32, #tpu.memory_space<hbm>> -> memref<100001x32xf32, #tpu.memory_space<hbm>>
    tpu.enqueue_indirect_dma source(%dma_start3A_216 : memref<100001x32xf32, #tpu.memory_space<hbm>>) target(%arg47 : memref<512x32xf32, #tpu.memory_space<vmem>>) offsets(%arg34 : memref<512xi32, #tpu.memory_space<vmem>>) semaphore(%arg49 : memref<!tpu.dma_semaphore, #tpu.memory_space<semaphore_mem>>)
    %dma_wait3A_217 = arith.constant 0 : i32
    %dma_wait3A_218 = arith.constant 0 : i32
    %dma_wait3A_219 = tpu.memref_slice %arg9[%dma_wait3A_217, %dma_wait3A_218] : memref<100001x32xf32, #tpu.memory_space<hbm>> -> memref<100001x32xf32, #tpu.memory_space<hbm>>
    tpu.wait_indirect_dma semaphore(%arg49 : memref<!tpu.dma_semaphore, #tpu.memory_space<semaphore_mem>>) src(%dma_wait3A_219 : memref<100001x32xf32, #tpu.memory_space<hbm>>) dst(%arg42 : memref<512x32xf32, #tpu.memory_space<vmem>>)
    %dma_start3A_220 = arith.constant 192 : i32
    %dma_start3A_221 = tpu.memref_slice %arg22[%mul3A_2, %dma_start3A_220] : memref<16384x608xf32, #tpu.memory_space<hbm>> -> memref<512x32xf32, #tpu.memory_space<hbm>>
    %dma_start3A_222 = arith.constant 192 : i32
    %dma_start3A_223 = tpu.memref_slice %arg22[%mul3A_2, %dma_start3A_222] : memref<16384x608xf32, #tpu.memory_space<hbm>> -> memref<512x32xf32, #tpu.memory_space<hbm>>
    tpu.enqueue_dma source(%arg42 : memref<512x32xf32, #tpu.memory_space<vmem>>) target(%dma_start3A_223 : memref<512x32xf32, #tpu.memory_space<hbm>>) target_semaphore(%arg50 : memref<!tpu.dma_semaphore, #tpu.memory_space<semaphore_mem>>)
    %dma_wait3A_224 = arith.constant 192 : i32
    %dma_wait3A_225 = tpu.memref_slice %arg22[%mul3A_2, %dma_wait3A_224] : memref<16384x608xf32, #tpu.memory_space<hbm>> -> memref<512x32xf32, #tpu.memory_space<hbm>>
    %dma_wait3A_226 = arith.constant 192 : i32
    %dma_wait3A_227 = tpu.memref_slice %arg22[%mul3A_2, %dma_wait3A_226] : memref<16384x608xf32, #tpu.memory_space<hbm>> -> memref<512x32xf32, #tpu.memory_space<hbm>>
    tpu.wait_dma2 semaphore(%arg50 : memref<!tpu.dma_semaphore, #tpu.memory_space<semaphore_mem>>) src(%arg42 : memref<512x32xf32, #tpu.memory_space<vmem>>) dst(%dma_wait3A_227 : memref<512x32xf32, #tpu.memory_space<hbm>>)
    %dma_start3A_228 = arith.constant 0 : i32
    %dma_start3A_229 = arith.constant 0 : i32
    %dma_start3A_230 = tpu.memref_slice %arg15[%dma_start3A_228, %dma_start3A_229] : memref<100001x32xf32, #tpu.memory_space<hbm>> -> memref<100001x32xf32, #tpu.memory_space<hbm>>
    tpu.enqueue_indirect_dma source(%dma_start3A_230 : memref<100001x32xf32, #tpu.memory_space<hbm>>) target(%arg42 : memref<512x32xf32, #tpu.memory_space<vmem>>) offsets(%arg35 : memref<512xi32, #tpu.memory_space<vmem>>) semaphore(%arg49 : memref<!tpu.dma_semaphore, #tpu.memory_space<semaphore_mem>>)
    %dma_wait3A_231 = arith.constant 0 : i32
    %dma_wait3A_232 = arith.constant 0 : i32
    %dma_wait3A_233 = tpu.memref_slice %arg10[%dma_wait3A_231, %dma_wait3A_232] : memref<100002x32xf32, #tpu.memory_space<hbm>> -> memref<100002x32xf32, #tpu.memory_space<hbm>>
    tpu.wait_indirect_dma semaphore(%arg49 : memref<!tpu.dma_semaphore, #tpu.memory_space<semaphore_mem>>) src(%dma_wait3A_233 : memref<100002x32xf32, #tpu.memory_space<hbm>>) dst(%arg43 : memref<512x32xf32, #tpu.memory_space<vmem>>)
    %dma_start3A_234 = arith.constant 224 : i32
    %dma_start3A_235 = tpu.memref_slice %arg22[%mul3A_2, %dma_start3A_234] : memref<16384x608xf32, #tpu.memory_space<hbm>> -> memref<512x32xf32, #tpu.memory_space<hbm>>
    %dma_start3A_236 = arith.constant 224 : i32
    %dma_start3A_237 = tpu.memref_slice %arg22[%mul3A_2, %dma_start3A_236] : memref<16384x608xf32, #tpu.memory_space<hbm>> -> memref<512x32xf32, #tpu.memory_space<hbm>>
    tpu.enqueue_dma source(%arg43 : memref<512x32xf32, #tpu.memory_space<vmem>>) target(%dma_start3A_237 : memref<512x32xf32, #tpu.memory_space<hbm>>) target_semaphore(%arg50 : memref<!tpu.dma_semaphore, #tpu.memory_space<semaphore_mem>>)
    %dma_wait3A_238 = arith.constant 224 : i32
    %dma_wait3A_239 = tpu.memref_slice %arg22[%mul3A_2, %dma_wait3A_238] : memref<16384x608xf32, #tpu.memory_space<hbm>> -> memref<512x32xf32, #tpu.memory_space<hbm>>
    %dma_wait3A_240 = arith.constant 224 : i32
    %dma_wait3A_241 = tpu.memref_slice %arg22[%mul3A_2, %dma_wait3A_240] : memref<16384x608xf32, #tpu.memory_space<hbm>> -> memref<512x32xf32, #tpu.memory_space<hbm>>
    tpu.wait_dma2 semaphore(%arg50 : memref<!tpu.dma_semaphore, #tpu.memory_space<semaphore_mem>>) src(%arg43 : memref<512x32xf32, #tpu.memory_space<vmem>>) dst(%dma_wait3A_241 : memref<512x32xf32, #tpu.memory_space<hbm>>)
    %dma_start3A_242 = arith.constant 0 : i32
    %dma_start3A_243 = arith.constant 0 : i32
    %dma_start3A_244 = tpu.memref_slice %arg16[%dma_start3A_242, %dma_start3A_243] : memref<100001x32xf32, #tpu.memory_space<hbm>> -> memref<100001x32xf32, #tpu.memory_space<hbm>>
    tpu.enqueue_indirect_dma source(%dma_start3A_244 : memref<100001x32xf32, #tpu.memory_space<hbm>>) target(%arg43 : memref<512x32xf32, #tpu.memory_space<vmem>>) offsets(%arg36 : memref<512xi32, #tpu.memory_space<vmem>>) semaphore(%arg49 : memref<!tpu.dma_semaphore, #tpu.memory_space<semaphore_mem>>)
    %dma_wait3A_245 = arith.constant 0 : i32
    %dma_wait3A_246 = arith.constant 0 : i32
    %dma_wait3A_247 = tpu.memref_slice %arg11[%dma_wait3A_245, %dma_wait3A_246] : memref<100001x32xf32, #tpu.memory_space<hbm>> -> memref<100001x32xf32, #tpu.memory_space<hbm>>
    tpu.wait_indirect_dma semaphore(%arg49 : memref<!tpu.dma_semaphore, #tpu.memory_space<semaphore_mem>>) src(%dma_wait3A_247 : memref<100001x32xf32, #tpu.memory_space<hbm>>) dst(%arg44 : memref<512x32xf32, #tpu.memory_space<vmem>>)
    %dma_start3A_248 = arith.constant 256 : i32
    %dma_start3A_249 = tpu.memref_slice %arg22[%mul3A_2, %dma_start3A_248] : memref<16384x608xf32, #tpu.memory_space<hbm>> -> memref<512x32xf32, #tpu.memory_space<hbm>>
    %dma_start3A_250 = arith.constant 256 : i32
    %dma_start3A_251 = tpu.memref_slice %arg22[%mul3A_2, %dma_start3A_250] : memref<16384x608xf32, #tpu.memory_space<hbm>> -> memref<512x32xf32, #tpu.memory_space<hbm>>
    tpu.enqueue_dma source(%arg44 : memref<512x32xf32, #tpu.memory_space<vmem>>) target(%dma_start3A_251 : memref<512x32xf32, #tpu.memory_space<hbm>>) target_semaphore(%arg50 : memref<!tpu.dma_semaphore, #tpu.memory_space<semaphore_mem>>)
    %dma_wait3A_252 = arith.constant 256 : i32
    %dma_wait3A_253 = tpu.memref_slice %arg22[%mul3A_2, %dma_wait3A_252] : memref<16384x608xf32, #tpu.memory_space<hbm>> -> memref<512x32xf32, #tpu.memory_space<hbm>>
    %dma_wait3A_254 = arith.constant 256 : i32
    %dma_wait3A_255 = tpu.memref_slice %arg22[%mul3A_2, %dma_wait3A_254] : memref<16384x608xf32, #tpu.memory_space<hbm>> -> memref<512x32xf32, #tpu.memory_space<hbm>>
    tpu.wait_dma2 semaphore(%arg50 : memref<!tpu.dma_semaphore, #tpu.memory_space<semaphore_mem>>) src(%arg44 : memref<512x32xf32, #tpu.memory_space<vmem>>) dst(%dma_wait3A_255 : memref<512x32xf32, #tpu.memory_space<hbm>>)
    %dma_start3A_256 = arith.constant 0 : i32
    %dma_start3A_257 = arith.constant 0 : i32
    %dma_start3A_258 = tpu.memref_slice %arg17[%dma_start3A_256, %dma_start3A_257] : memref<100001x32xf32, #tpu.memory_space<hbm>> -> memref<100001x32xf32, #tpu.memory_space<hbm>>
    tpu.enqueue_indirect_dma source(%dma_start3A_258 : memref<100001x32xf32, #tpu.memory_space<hbm>>) target(%arg44 : memref<512x32xf32, #tpu.memory_space<vmem>>) offsets(%arg37 : memref<512xi32, #tpu.memory_space<vmem>>) semaphore(%arg49 : memref<!tpu.dma_semaphore, #tpu.memory_space<semaphore_mem>>)
    %dma_wait3A_259 = arith.constant 0 : i32
    %dma_wait3A_260 = arith.constant 0 : i32
    %dma_wait3A_261 = tpu.memref_slice %arg12[%dma_wait3A_259, %dma_wait3A_260] : memref<100001x32xf32, #tpu.memory_space<hbm>> -> memref<100001x32xf32, #tpu.memory_space<hbm>>
    tpu.wait_indirect_dma semaphore(%arg49 : memref<!tpu.dma_semaphore, #tpu.memory_space<semaphore_mem>>) src(%dma_wait3A_261 : memref<100001x32xf32, #tpu.memory_space<hbm>>) dst(%arg45 : memref<512x32xf32, #tpu.memory_space<vmem>>)
    %dma_start3A_262 = arith.constant 288 : i32
    %dma_start3A_263 = tpu.memref_slice %arg22[%mul3A_2, %dma_start3A_262] : memref<16384x608xf32, #tpu.memory_space<hbm>> -> memref<512x32xf32, #tpu.memory_space<hbm>>
    %dma_start3A_264 = arith.constant 288 : i32
    %dma_start3A_265 = tpu.memref_slice %arg22[%mul3A_2, %dma_start3A_264] : memref<16384x608xf32, #tpu.memory_space<hbm>> -> memref<512x32xf32, #tpu.memory_space<hbm>>
    tpu.enqueue_dma source(%arg45 : memref<512x32xf32, #tpu.memory_space<vmem>>) target(%dma_start3A_265 : memref<512x32xf32, #tpu.memory_space<hbm>>) target_semaphore(%arg50 : memref<!tpu.dma_semaphore, #tpu.memory_space<semaphore_mem>>)
    %dma_wait3A_266 = arith.constant 288 : i32
    %dma_wait3A_267 = tpu.memref_slice %arg22[%mul3A_2, %dma_wait3A_266] : memref<16384x608xf32, #tpu.memory_space<hbm>> -> memref<512x32xf32, #tpu.memory_space<hbm>>
    %dma_wait3A_268 = arith.constant 288 : i32
    %dma_wait3A_269 = tpu.memref_slice %arg22[%mul3A_2, %dma_wait3A_268] : memref<16384x608xf32, #tpu.memory_space<hbm>> -> memref<512x32xf32, #tpu.memory_space<hbm>>
    tpu.wait_dma2 semaphore(%arg50 : memref<!tpu.dma_semaphore, #tpu.memory_space<semaphore_mem>>) src(%arg45 : memref<512x32xf32, #tpu.memory_space<vmem>>) dst(%dma_wait3A_269 : memref<512x32xf32, #tpu.memory_space<hbm>>)
    %dma_start3A_270 = arith.constant 0 : i32
    %dma_start3A_271 = arith.constant 0 : i32
    %dma_start3A_272 = tpu.memref_slice %arg18[%dma_start3A_270, %dma_start3A_271] : memref<100001x32xf32, #tpu.memory_space<hbm>> -> memref<100001x32xf32, #tpu.memory_space<hbm>>
    tpu.enqueue_indirect_dma source(%dma_start3A_272 : memref<100001x32xf32, #tpu.memory_space<hbm>>) target(%arg45 : memref<512x32xf32, #tpu.memory_space<vmem>>) offsets(%arg38 : memref<512xi32, #tpu.memory_space<vmem>>) semaphore(%arg49 : memref<!tpu.dma_semaphore, #tpu.memory_space<semaphore_mem>>)
    %dma_wait3A_273 = arith.constant 0 : i32
    %dma_wait3A_274 = arith.constant 0 : i32
    %dma_wait3A_275 = tpu.memref_slice %arg13[%dma_wait3A_273, %dma_wait3A_274] : memref<100001x32xf32, #tpu.memory_space<hbm>> -> memref<100001x32xf32, #tpu.memory_space<hbm>>
    tpu.wait_indirect_dma semaphore(%arg49 : memref<!tpu.dma_semaphore, #tpu.memory_space<semaphore_mem>>) src(%dma_wait3A_275 : memref<100001x32xf32, #tpu.memory_space<hbm>>) dst(%arg46 : memref<512x32xf32, #tpu.memory_space<vmem>>)
    %dma_start3A_276 = arith.constant 320 : i32
    %dma_start3A_277 = tpu.memref_slice %arg22[%mul3A_2, %dma_start3A_276] : memref<16384x608xf32, #tpu.memory_space<hbm>> -> memref<512x32xf32, #tpu.memory_space<hbm>>
    %dma_start3A_278 = arith.constant 320 : i32
    %dma_start3A_279 = tpu.memref_slice %arg22[%mul3A_2, %dma_start3A_278] : memref<16384x608xf32, #tpu.memory_space<hbm>> -> memref<512x32xf32, #tpu.memory_space<hbm>>
    tpu.enqueue_dma source(%arg46 : memref<512x32xf32, #tpu.memory_space<vmem>>) target(%dma_start3A_279 : memref<512x32xf32, #tpu.memory_space<hbm>>) target_semaphore(%arg50 : memref<!tpu.dma_semaphore, #tpu.memory_space<semaphore_mem>>)
    %dma_wait3A_280 = arith.constant 320 : i32
    %dma_wait3A_281 = tpu.memref_slice %arg22[%mul3A_2, %dma_wait3A_280] : memref<16384x608xf32, #tpu.memory_space<hbm>> -> memref<512x32xf32, #tpu.memory_space<hbm>>
    %dma_wait3A_282 = arith.constant 320 : i32
    %dma_wait3A_283 = tpu.memref_slice %arg22[%mul3A_2, %dma_wait3A_282] : memref<16384x608xf32, #tpu.memory_space<hbm>> -> memref<512x32xf32, #tpu.memory_space<hbm>>
    tpu.wait_dma2 semaphore(%arg50 : memref<!tpu.dma_semaphore, #tpu.memory_space<semaphore_mem>>) src(%arg46 : memref<512x32xf32, #tpu.memory_space<vmem>>) dst(%dma_wait3A_283 : memref<512x32xf32, #tpu.memory_space<hbm>>)
    %dma_start3A_284 = arith.constant 0 : i32
    %dma_start3A_285 = arith.constant 0 : i32
    %dma_start3A_286 = tpu.memref_slice %arg19[%dma_start3A_284, %dma_start3A_285] : memref<100001x32xf32, #tpu.memory_space<hbm>> -> memref<100001x32xf32, #tpu.memory_space<hbm>>
    tpu.enqueue_indirect_dma source(%dma_start3A_286 : memref<100001x32xf32, #tpu.memory_space<hbm>>) target(%arg46 : memref<512x32xf32, #tpu.memory_space<vmem>>) offsets(%arg39 : memref<512xi32, #tpu.memory_space<vmem>>) semaphore(%arg49 : memref<!tpu.dma_semaphore, #tpu.memory_space<semaphore_mem>>)
    %dma_wait3A_287 = arith.constant 0 : i32
    %dma_wait3A_288 = arith.constant 0 : i32
    %dma_wait3A_289 = tpu.memref_slice %arg14[%dma_wait3A_287, %dma_wait3A_288] : memref<100001x32xf32, #tpu.memory_space<hbm>> -> memref<100001x32xf32, #tpu.memory_space<hbm>>
    tpu.wait_indirect_dma semaphore(%arg49 : memref<!tpu.dma_semaphore, #tpu.memory_space<semaphore_mem>>) src(%dma_wait3A_289 : memref<100001x32xf32, #tpu.memory_space<hbm>>) dst(%arg47 : memref<512x32xf32, #tpu.memory_space<vmem>>)
    %dma_start3A_290 = arith.constant 352 : i32
    %dma_start3A_291 = tpu.memref_slice %arg22[%mul3A_2, %dma_start3A_290] : memref<16384x608xf32, #tpu.memory_space<hbm>> -> memref<512x32xf32, #tpu.memory_space<hbm>>
    %dma_start3A_292 = arith.constant 352 : i32
    %dma_start3A_293 = tpu.memref_slice %arg22[%mul3A_2, %dma_start3A_292] : memref<16384x608xf32, #tpu.memory_space<hbm>> -> memref<512x32xf32, #tpu.memory_space<hbm>>
    tpu.enqueue_dma source(%arg47 : memref<512x32xf32, #tpu.memory_space<vmem>>) target(%dma_start3A_293 : memref<512x32xf32, #tpu.memory_space<hbm>>) target_semaphore(%arg50 : memref<!tpu.dma_semaphore, #tpu.memory_space<semaphore_mem>>)
    %dma_wait3A_294 = arith.constant 352 : i32
    %dma_wait3A_295 = tpu.memref_slice %arg22[%mul3A_2, %dma_wait3A_294] : memref<16384x608xf32, #tpu.memory_space<hbm>> -> memref<512x32xf32, #tpu.memory_space<hbm>>
    %dma_wait3A_296 = arith.constant 352 : i32
    %dma_wait3A_297 = tpu.memref_slice %arg22[%mul3A_2, %dma_wait3A_296] : memref<16384x608xf32, #tpu.memory_space<hbm>> -> memref<512x32xf32, #tpu.memory_space<hbm>>
    tpu.wait_dma2 semaphore(%arg50 : memref<!tpu.dma_semaphore, #tpu.memory_space<semaphore_mem>>) src(%arg47 : memref<512x32xf32, #tpu.memory_space<vmem>>) dst(%dma_wait3A_297 : memref<512x32xf32, #tpu.memory_space<hbm>>)
    %dma_start3A_298 = arith.constant 0 : i32
    %dma_start3A_299 = arith.constant 0 : i32
    %dma_start3A_300 = tpu.memref_slice %arg20[%dma_start3A_298, %dma_start3A_299] : memref<100001x32xf32, #tpu.memory_space<hbm>> -> memref<100001x32xf32, #tpu.memory_space<hbm>>
    tpu.enqueue_indirect_dma source(%dma_start3A_300 : memref<100001x32xf32, #tpu.memory_space<hbm>>) target(%arg47 : memref<512x32xf32, #tpu.memory_space<vmem>>) offsets(%arg40 : memref<512xi32, #tpu.memory_space<vmem>>) semaphore(%arg49 : memref<!tpu.dma_semaphore, #tpu.memory_space<semaphore_mem>>)
    %dma_wait3A_301 = arith.constant 0 : i32
    %dma_wait3A_302 = arith.constant 0 : i32
    %dma_wait3A_303 = tpu.memref_slice %arg15[%dma_wait3A_301, %dma_wait3A_302] : memref<100001x32xf32, #tpu.memory_space<hbm>> -> memref<100001x32xf32, #tpu.memory_space<hbm>>
    tpu.wait_indirect_dma semaphore(%arg49 : memref<!tpu.dma_semaphore, #tpu.memory_space<semaphore_mem>>) src(%dma_wait3A_303 : memref<100001x32xf32, #tpu.memory_space<hbm>>) dst(%arg42 : memref<512x32xf32, #tpu.memory_space<vmem>>)
    %dma_start3A_304 = arith.constant 384 : i32
    %dma_start3A_305 = tpu.memref_slice %arg22[%mul3A_2, %dma_start3A_304] : memref<16384x608xf32, #tpu.memory_space<hbm>> -> memref<512x32xf32, #tpu.memory_space<hbm>>
    %dma_start3A_306 = arith.constant 384 : i32
    %dma_start3A_307 = tpu.memref_slice %arg22[%mul3A_2, %dma_start3A_306] : memref<16384x608xf32, #tpu.memory_space<hbm>> -> memref<512x32xf32, #tpu.memory_space<hbm>>
    tpu.enqueue_dma source(%arg42 : memref<512x32xf32, #tpu.memory_space<vmem>>) target(%dma_start3A_307 : memref<512x32xf32, #tpu.memory_space<hbm>>) target_semaphore(%arg50 : memref<!tpu.dma_semaphore, #tpu.memory_space<semaphore_mem>>)
    %dma_wait3A_308 = arith.constant 384 : i32
    %dma_wait3A_309 = tpu.memref_slice %arg22[%mul3A_2, %dma_wait3A_308] : memref<16384x608xf32, #tpu.memory_space<hbm>> -> memref<512x32xf32, #tpu.memory_space<hbm>>
    %dma_wait3A_310 = arith.constant 384 : i32
    %dma_wait3A_311 = tpu.memref_slice %arg22[%mul3A_2, %dma_wait3A_310] : memref<16384x608xf32, #tpu.memory_space<hbm>> -> memref<512x32xf32, #tpu.memory_space<hbm>>
    tpu.wait_dma2 semaphore(%arg50 : memref<!tpu.dma_semaphore, #tpu.memory_space<semaphore_mem>>) src(%arg42 : memref<512x32xf32, #tpu.memory_space<vmem>>) dst(%dma_wait3A_311 : memref<512x32xf32, #tpu.memory_space<hbm>>)
    %dma_start3A_312 = arith.constant 0 : i32
    %dma_start3A_313 = arith.constant 0 : i32
    %dma_start3A_314 = tpu.memref_slice %arg21[%dma_start3A_312, %dma_start3A_313] : memref<100001x32xf32, #tpu.memory_space<hbm>> -> memref<100001x32xf32, #tpu.memory_space<hbm>>
    tpu.enqueue_indirect_dma source(%dma_start3A_314 : memref<100001x32xf32, #tpu.memory_space<hbm>>) target(%arg42 : memref<512x32xf32, #tpu.memory_space<vmem>>) offsets(%arg41 : memref<512xi32, #tpu.memory_space<vmem>>) semaphore(%arg49 : memref<!tpu.dma_semaphore, #tpu.memory_space<semaphore_mem>>)
    %dma_wait3A_315 = arith.constant 0 : i32
    %dma_wait3A_316 = arith.constant 0 : i32
    %dma_wait3A_317 = tpu.memref_slice %arg16[%dma_wait3A_315, %dma_wait3A_316] : memref<100001x32xf32, #tpu.memory_space<hbm>> -> memref<100001x32xf32, #tpu.memory_space<hbm>>
    tpu.wait_indirect_dma semaphore(%arg49 : memref<!tpu.dma_semaphore, #tpu.memory_space<semaphore_mem>>) src(%dma_wait3A_317 : memref<100001x32xf32, #tpu.memory_space<hbm>>) dst(%arg43 : memref<512x32xf32, #tpu.memory_space<vmem>>)
    %dma_start3A_318 = arith.constant 416 : i32
    %dma_start3A_319 = tpu.memref_slice %arg22[%mul3A_2, %dma_start3A_318] : memref<16384x608xf32, #tpu.memory_space<hbm>> -> memref<512x32xf32, #tpu.memory_space<hbm>>
    %dma_start3A_320 = arith.constant 416 : i32
    %dma_start3A_321 = tpu.memref_slice %arg22[%mul3A_2, %dma_start3A_320] : memref<16384x608xf32, #tpu.memory_space<hbm>> -> memref<512x32xf32, #tpu.memory_space<hbm>>
    tpu.enqueue_dma source(%arg43 : memref<512x32xf32, #tpu.memory_space<vmem>>) target(%dma_start3A_321 : memref<512x32xf32, #tpu.memory_space<hbm>>) target_semaphore(%arg50 : memref<!tpu.dma_semaphore, #tpu.memory_space<semaphore_mem>>)
    %dma_wait3A_322 = arith.constant 0 : i32
    %dma_wait3A_323 = arith.constant 0 : i32
    %dma_wait3A_324 = tpu.memref_slice %arg17[%dma_wait3A_322, %dma_wait3A_323] : memref<100001x32xf32, #tpu.memory_space<hbm>> -> memref<100001x32xf32, #tpu.memory_space<hbm>>
    tpu.wait_indirect_dma semaphore(%arg49 : memref<!tpu.dma_semaphore, #tpu.memory_space<semaphore_mem>>) src(%dma_wait3A_324 : memref<100001x32xf32, #tpu.memory_space<hbm>>) dst(%arg44 : memref<512x32xf32, #tpu.memory_space<vmem>>)
    %dma_start3A_325 = arith.constant 448 : i32
    %dma_start3A_326 = tpu.memref_slice %arg22[%mul3A_2, %dma_start3A_325] : memref<16384x608xf32, #tpu.memory_space<hbm>> -> memref<512x32xf32, #tpu.memory_space<hbm>>
    %dma_start3A_327 = arith.constant 448 : i32
    %dma_start3A_328 = tpu.memref_slice %arg22[%mul3A_2, %dma_start3A_327] : memref<16384x608xf32, #tpu.memory_space<hbm>> -> memref<512x32xf32, #tpu.memory_space<hbm>>
    tpu.enqueue_dma source(%arg44 : memref<512x32xf32, #tpu.memory_space<vmem>>) target(%dma_start3A_328 : memref<512x32xf32, #tpu.memory_space<hbm>>) target_semaphore(%arg50 : memref<!tpu.dma_semaphore, #tpu.memory_space<semaphore_mem>>)
    %dma_wait3A_329 = arith.constant 0 : i32
    %dma_wait3A_330 = arith.constant 0 : i32
    %dma_wait3A_331 = tpu.memref_slice %arg18[%dma_wait3A_329, %dma_wait3A_330] : memref<100001x32xf32, #tpu.memory_space<hbm>> -> memref<100001x32xf32, #tpu.memory_space<hbm>>
    tpu.wait_indirect_dma semaphore(%arg49 : memref<!tpu.dma_semaphore, #tpu.memory_space<semaphore_mem>>) src(%dma_wait3A_331 : memref<100001x32xf32, #tpu.memory_space<hbm>>) dst(%arg45 : memref<512x32xf32, #tpu.memory_space<vmem>>)
    %dma_start3A_332 = arith.constant 480 : i32
    %dma_start3A_333 = tpu.memref_slice %arg22[%mul3A_2, %dma_start3A_332] : memref<16384x608xf32, #tpu.memory_space<hbm>> -> memref<512x32xf32, #tpu.memory_space<hbm>>
    %dma_start3A_334 = arith.constant 480 : i32
    %dma_start3A_335 = tpu.memref_slice %arg22[%mul3A_2, %dma_start3A_334] : memref<16384x608xf32, #tpu.memory_space<hbm>> -> memref<512x32xf32, #tpu.memory_space<hbm>>
    tpu.enqueue_dma source(%arg45 : memref<512x32xf32, #tpu.memory_space<vmem>>) target(%dma_start3A_335 : memref<512x32xf32, #tpu.memory_space<hbm>>) target_semaphore(%arg50 : memref<!tpu.dma_semaphore, #tpu.memory_space<semaphore_mem>>)
    %dma_wait3A_336 = arith.constant 0 : i32
    %dma_wait3A_337 = arith.constant 0 : i32
    %dma_wait3A_338 = tpu.memref_slice %arg19[%dma_wait3A_336, %dma_wait3A_337] : memref<100001x32xf32, #tpu.memory_space<hbm>> -> memref<100001x32xf32, #tpu.memory_space<hbm>>
    tpu.wait_indirect_dma semaphore(%arg49 : memref<!tpu.dma_semaphore, #tpu.memory_space<semaphore_mem>>) src(%dma_wait3A_338 : memref<100001x32xf32, #tpu.memory_space<hbm>>) dst(%arg46 : memref<512x32xf32, #tpu.memory_space<vmem>>)
    %dma_start3A_339 = arith.constant 512 : i32
    %dma_start3A_340 = tpu.memref_slice %arg22[%mul3A_2, %dma_start3A_339] : memref<16384x608xf32, #tpu.memory_space<hbm>> -> memref<512x32xf32, #tpu.memory_space<hbm>>
    %dma_start3A_341 = arith.constant 512 : i32
    %dma_start3A_342 = tpu.memref_slice %arg22[%mul3A_2, %dma_start3A_341] : memref<16384x608xf32, #tpu.memory_space<hbm>> -> memref<512x32xf32, #tpu.memory_space<hbm>>
    tpu.enqueue_dma source(%arg46 : memref<512x32xf32, #tpu.memory_space<vmem>>) target(%dma_start3A_342 : memref<512x32xf32, #tpu.memory_space<hbm>>) target_semaphore(%arg50 : memref<!tpu.dma_semaphore, #tpu.memory_space<semaphore_mem>>)
    %dma_wait3A_343 = arith.constant 0 : i32
    %dma_wait3A_344 = arith.constant 0 : i32
    %dma_wait3A_345 = tpu.memref_slice %arg20[%dma_wait3A_343, %dma_wait3A_344] : memref<100001x32xf32, #tpu.memory_space<hbm>> -> memref<100001x32xf32, #tpu.memory_space<hbm>>
    tpu.wait_indirect_dma semaphore(%arg49 : memref<!tpu.dma_semaphore, #tpu.memory_space<semaphore_mem>>) src(%dma_wait3A_345 : memref<100001x32xf32, #tpu.memory_space<hbm>>) dst(%arg47 : memref<512x32xf32, #tpu.memory_space<vmem>>)
    %dma_start3A_346 = arith.constant 544 : i32
    %dma_start3A_347 = tpu.memref_slice %arg22[%mul3A_2, %dma_start3A_346] : memref<16384x608xf32, #tpu.memory_space<hbm>> -> memref<512x32xf32, #tpu.memory_space<hbm>>
    %dma_start3A_348 = arith.constant 544 : i32
    %dma_start3A_349 = tpu.memref_slice %arg22[%mul3A_2, %dma_start3A_348] : memref<16384x608xf32, #tpu.memory_space<hbm>> -> memref<512x32xf32, #tpu.memory_space<hbm>>
    tpu.enqueue_dma source(%arg47 : memref<512x32xf32, #tpu.memory_space<vmem>>) target(%dma_start3A_349 : memref<512x32xf32, #tpu.memory_space<hbm>>) target_semaphore(%arg50 : memref<!tpu.dma_semaphore, #tpu.memory_space<semaphore_mem>>)
    %dma_wait3A_350 = arith.constant 0 : i32
    %dma_wait3A_351 = arith.constant 0 : i32
    %dma_wait3A_352 = tpu.memref_slice %arg21[%dma_wait3A_350, %dma_wait3A_351] : memref<100001x32xf32, #tpu.memory_space<hbm>> -> memref<100001x32xf32, #tpu.memory_space<hbm>>
    tpu.wait_indirect_dma semaphore(%arg49 : memref<!tpu.dma_semaphore, #tpu.memory_space<semaphore_mem>>) src(%dma_wait3A_352 : memref<100001x32xf32, #tpu.memory_space<hbm>>) dst(%arg42 : memref<512x32xf32, #tpu.memory_space<vmem>>)
    %dma_start3A_353 = arith.constant 576 : i32
    %dma_start3A_354 = tpu.memref_slice %arg22[%mul3A_2, %dma_start3A_353] : memref<16384x608xf32, #tpu.memory_space<hbm>> -> memref<512x32xf32, #tpu.memory_space<hbm>>
    %dma_start3A_355 = arith.constant 576 : i32
    %dma_start3A_356 = tpu.memref_slice %arg22[%mul3A_2, %dma_start3A_355] : memref<16384x608xf32, #tpu.memory_space<hbm>> -> memref<512x32xf32, #tpu.memory_space<hbm>>
    tpu.enqueue_dma source(%arg42 : memref<512x32xf32, #tpu.memory_space<vmem>>) target(%dma_start3A_356 : memref<512x32xf32, #tpu.memory_space<hbm>>) target_semaphore(%arg50 : memref<!tpu.dma_semaphore, #tpu.memory_space<semaphore_mem>>)
    %dma_wait3A_357 = arith.constant 416 : i32
    %dma_wait3A_358 = tpu.memref_slice %arg22[%mul3A_2, %dma_wait3A_357] : memref<16384x608xf32, #tpu.memory_space<hbm>> -> memref<512x32xf32, #tpu.memory_space<hbm>>
    %dma_wait3A_359 = arith.constant 416 : i32
    %dma_wait3A_360 = tpu.memref_slice %arg22[%mul3A_2, %dma_wait3A_359] : memref<16384x608xf32, #tpu.memory_space<hbm>> -> memref<512x32xf32, #tpu.memory_space<hbm>>
    tpu.wait_dma2 semaphore(%arg50 : memref<!tpu.dma_semaphore, #tpu.memory_space<semaphore_mem>>) src(%arg43 : memref<512x32xf32, #tpu.memory_space<vmem>>) dst(%dma_wait3A_360 : memref<512x32xf32, #tpu.memory_space<hbm>>)
    %dma_wait3A_361 = arith.constant 448 : i32
    %dma_wait3A_362 = tpu.memref_slice %arg22[%mul3A_2, %dma_wait3A_361] : memref<16384x608xf32, #tpu.memory_space<hbm>> -> memref<512x32xf32, #tpu.memory_space<hbm>>
    %dma_wait3A_363 = arith.constant 448 : i32
    %dma_wait3A_364 = tpu.memref_slice %arg22[%mul3A_2, %dma_wait3A_363] : memref<16384x608xf32, #tpu.memory_space<hbm>> -> memref<512x32xf32, #tpu.memory_space<hbm>>
    tpu.wait_dma2 semaphore(%arg50 : memref<!tpu.dma_semaphore, #tpu.memory_space<semaphore_mem>>) src(%arg44 : memref<512x32xf32, #tpu.memory_space<vmem>>) dst(%dma_wait3A_364 : memref<512x32xf32, #tpu.memory_space<hbm>>)
    %dma_wait3A_365 = arith.constant 480 : i32
    %dma_wait3A_366 = tpu.memref_slice %arg22[%mul3A_2, %dma_wait3A_365] : memref<16384x608xf32, #tpu.memory_space<hbm>> -> memref<512x32xf32, #tpu.memory_space<hbm>>
    %dma_wait3A_367 = arith.constant 480 : i32
    %dma_wait3A_368 = tpu.memref_slice %arg22[%mul3A_2, %dma_wait3A_367] : memref<16384x608xf32, #tpu.memory_space<hbm>> -> memref<512x32xf32, #tpu.memory_space<hbm>>
    tpu.wait_dma2 semaphore(%arg50 : memref<!tpu.dma_semaphore, #tpu.memory_space<semaphore_mem>>) src(%arg45 : memref<512x32xf32, #tpu.memory_space<vmem>>) dst(%dma_wait3A_368 : memref<512x32xf32, #tpu.memory_space<hbm>>)
    %dma_wait3A_369 = arith.constant 512 : i32
    %dma_wait3A_370 = tpu.memref_slice %arg22[%mul3A_2, %dma_wait3A_369] : memref<16384x608xf32, #tpu.memory_space<hbm>> -> memref<512x32xf32, #tpu.memory_space<hbm>>
    %dma_wait3A_371 = arith.constant 512 : i32
    %dma_wait3A_372 = tpu.memref_slice %arg22[%mul3A_2, %dma_wait3A_371] : memref<16384x608xf32, #tpu.memory_space<hbm>> -> memref<512x32xf32, #tpu.memory_space<hbm>>
    tpu.wait_dma2 semaphore(%arg50 : memref<!tpu.dma_semaphore, #tpu.memory_space<semaphore_mem>>) src(%arg46 : memref<512x32xf32, #tpu.memory_space<vmem>>) dst(%dma_wait3A_372 : memref<512x32xf32, #tpu.memory_space<hbm>>)
    %dma_wait3A_373 = arith.constant 544 : i32
    %dma_wait3A_374 = tpu.memref_slice %arg22[%mul3A_2, %dma_wait3A_373] : memref<16384x608xf32, #tpu.memory_space<hbm>> -> memref<512x32xf32, #tpu.memory_space<hbm>>
    %dma_wait3A_375 = arith.constant 544 : i32
    %dma_wait3A_376 = tpu.memref_slice %arg22[%mul3A_2, %dma_wait3A_375] : memref<16384x608xf32, #tpu.memory_space<hbm>> -> memref<512x32xf32, #tpu.memory_space<hbm>>
    tpu.wait_dma2 semaphore(%arg50 : memref<!tpu.dma_semaphore, #tpu.memory_space<semaphore_mem>>) src(%arg47 : memref<512x32xf32, #tpu.memory_space<vmem>>) dst(%dma_wait3A_376 : memref<512x32xf32, #tpu.memory_space<hbm>>)
    %dma_wait3A_377 = arith.constant 576 : i32
    %dma_wait3A_378 = tpu.memref_slice %arg22[%mul3A_2, %dma_wait3A_377] : memref<16384x608xf32, #tpu.memory_space<hbm>> -> memref<512x32xf32, #tpu.memory_space<hbm>>
    %dma_wait3A_379 = arith.constant 576 : i32
    %dma_wait3A_380 = tpu.memref_slice %arg22[%mul3A_2, %dma_wait3A_379] : memref<16384x608xf32, #tpu.memory_space<hbm>> -> memref<512x32xf32, #tpu.memory_space<hbm>>
    tpu.wait_dma2 semaphore(%arg50 : memref<!tpu.dma_semaphore, #tpu.memory_space<semaphore_mem>>) src(%arg42 : memref<512x32xf32, #tpu.memory_space<vmem>>) dst(%dma_wait3A_380 : memref<512x32xf32, #tpu.memory_space<hbm>>)
    return
  }
}

</mosaic_0001>

<sc_bundles>
// kernel: kernel.3.cloned.1.call-start
scs
__scs_entry_jumppad:
0x0: {  	(pc) =	sbr.rel $0x88, $3  }
0x1: {  	(tag) =	ssettag $0x0;
	lr =	simm.s32 $0x1  }
0x2: {  	[smem:$0x3F8D] =	sst lr;
	_ =	strace $0xD0000000  }
0x3: {  	_ = 	snop  }
0x4: {  	_ = 	snop  }
0x5: {  	_ = 	snop  }
0x6: {  	_ = 	snop  }
0x7: {  	_ = 	snop  }
__scs_overlays_trampoline_lowered:
0x8: {  	[smem:$0x3F9C] =	sst s0  }
0x9: {  	[smem:$0x3F9D] =	sst s1  }
0xa: {  	[smem:$0x3F9E] =	sst s2  }
0xb: {  	[smem:$0x3F9F] =	sst s3  }
0xc: {  	[smem:$0x3FA0] =	sst s4  }
0xd: {  	[smem:$0x3FA1] =	sst s5  }
0xe: {  	[smem:$0x3FA2] =	sst s6  }
0xf: {  	[smem:$0x3FA3] =	sst s7  }
0x10: {  	[smem:$0x3FA4] =	sst s8  }
0x11: {  	[smem:$0x3FA5] =	sst s9;
	s0 =	simm.s32 @!p0 $0x0  }
0x12: {  	s1 =	sld [smem:$0x3F8B];
	s0 =	simm.s32 @p0 $0x1  }
0x13: {  	[smem:$0x3FA6] =	sst s0;
	s0 =	simm.s32 @!p1 $0x0  }
0x14: {  	s2 =	sld [smem:$0x3F8A];
	s0 =	simm.s32 @p1 $0x1  }
0x15: {  	[smem:$0x3FA7] =	sst s0;
	s0 =	simm.s32 @!p2 $0x0  }
0x16: {  	s3 =	sld [smem:$0x3FDB];
	s0 =	simm.s32 @p2 $0x1  }
0x17: {  	s4 =	simm.s32 $0x1BF5;
	[smem:$0x3FA9] =	sst s0  }
0x18: {  	s0 =	sld [smem:$0x3F8C];
	_ =	swait.ge [sflag:s4], $0x0  }
0x19: {  	s7 =	sld [smem:$0x3F8D]  }
0x1a: {  	s8 =	sadd.s32 $0xFFFFE003, lr  }
0x1b: {  	s9 =	sadd.s32 $0xFFFFFEF7, lr;
	s5 =	simm.s32 $0xFFFFFFFF;
	p2 =	slt.u32 s8, $0xFFFFF086  }
0x1c: {  	p1 =	slt.u32 s9, $0xF7A;
	s5 =	simm.s32 @!p2 $0x0  }
0x1d: {  	s5 =	simm.s32 @p1 $0x1;
	p0 =	seq.s32 s7, s2  }
0x1e: {  	s7 =	smul.u32 @!p0 $0xF7A, s2;
	p2 =	seq.s32 @!p0 s5, $0x0  }
0x1f: {  	s9 =	smul.u32 $0xF7A, s1;
	s8 =	simm.s32 @!p0 $0x1BF5;
	p2 =	por !p2, p0  }
0x20: {  	[sflag:s8] =	ssyncset.s32 @!p0 $0xFFFFF086;
	s6 =	sadd.s32 @!p0 s3, s7;
	s7 =	simm.s32 @!p0 $0x108  }
0x21: {  	s3 =	sadd.s32 s3, s9;
	s6 =	sadd.s32 @!p0 $0x88, s6;
	s7 =	simm.s32 @p2 $0x1082  }
0x22: {  	[simem:s7], [sflag:s8] =	dma.local @!p0 [hbm:s6], $0xF7A  }
0x23: {  	s9 =	sor.u32 $0xD0000000, s2;
	s6 =	simm.s32 $0x108;
	_ =	swait.ge @!p0 [sflag:s8], $0x0  }
0x24: {  	s3 =	sadd.s32 $0x88, s3;
	s6 =	simm.s32 @!p1 $0x1082;
	[sflag:s4] =	ssyncset.s32 $0xFFFFF086  }
0x25: {  	[simem:s6], [sflag:s4] =	dma.local [hbm:s3], $0xF7A  }
0x26: {  	[smem:$0x3F8D] =	sst s1;
	(tag) =	ssettag s2;
	_ =	strace s9  }
0x27: {  	s1 =	sld [smem:$0x3F9D]  }
0x28: {  	s2 =	sld [smem:$0x3F9E]  }
0x29: {  	s4 =	sld [smem:$0x3FA0]  }
0x2a: {  	p0 =	seq.s32 s5, $0x0;
	s5 =	sld [smem:$0x3FA1]  }
0x2b: {  	s6 =	sld [smem:$0x3FA2]  }
0x2c: {  	s7 =	sld [smem:$0x3FA3]  }
0x2d: {  	s3 =	simm.s32 $0x108;
	s8 =	sld [smem:$0x3FA4]  }
0x2e: {  	s3 =	simm.s32 @!p0 $0x1082;
	s9 =	sld [smem:$0x3FA5]  }
0x2f: {  	lr =	sadd.s32 s0, s3;
	s0 =	sld [smem:$0x3F9C]  }
0x30: {  	s3 =	sld [smem:$0x3F9F]  }
0x31: {  	[smem:$0x3FA8] =	sst s10  }
0x32: {  	s10 =	sld [smem:$0x3FA6];
	_ =	sdelay $0x3  }
0x33: {  	p0 =	seq.s32 s10, $0x1;
	s10 =	sld [smem:$0x3FA8];
	_ =	sdelay $0x3  }
0x34: {  	[smem:$0x3FA8] =	sst s10  }
0x35: {  	s10 =	sld [smem:$0x3FA7];
	_ =	sdelay $0x3  }
0x36: {  	p1 =	seq.s32 s10, $0x1;
	s10 =	sld [smem:$0x3FA8];
	_ =	sdelay $0x3  }
0x37: {  	[smem:$0x3FA8] =	sst s10  }
0x38: {  	s10 =	sld [smem:$0x3FA9]  }
0x39: {  	_ = 	snop;
	(pc) =	sbr.ind lr, $3  }
0x3a: {  	_ = 	snop  }
0x3b: {  	_ = 	snop  }
0x3c: {  	p2 =	seq.s32 s10, $0x1;
	s10 =	sld [smem:$0x3FA8]  }
0x3d: {  	_ =	shalt  }
0x3e: {  	_ =	shalt  }
0x3f: {  	_ =	shalt  }
0x40: {  	_ =	shalt  }
0x41: {  	_ =	shalt  }
0x42: {  	_ =	shalt  }
0x43: {  	_ =	shalt  }
0x44: {  	_ =	shalt  }
0x45: {  	_ =	shalt  }
0x46: {  	_ =	shalt  }
0x47: {  	_ =	shalt  }
0x48: {  	_ =	shalt  }
0x49: {  	_ =	shalt  }
0x4a: {  	_ =	shalt  }
0x4b: {  	_ =	shalt  }
0x4c: {  	_ =	shalt  }
0x4d: {  	_ =	shalt  }
0x4e: {  	_ =	shalt  }
0x4f: {  	_ =	shalt  }
0x50: {  	_ =	shalt  }
0x51: {  	_ =	shalt  }
0x52: {  	_ =	shalt  }
0x53: {  	_ =	shalt  }
0x54: {  	_ =	shalt  }
0x55: {  	_ =	shalt  }
0x56: {  	_ =	shalt  }
0x57: {  	_ =	shalt  }
0x58: {  	_ =	shalt  }
0x59: {  	_ =	shalt  }
0x5a: {  	_ =	shalt  }
0x5b: {  	_ =	shalt  }
0x5c: {  	_ =	shalt  }
0x5d: {  	_ =	shalt  }
0x5e: {  	_ =	shalt  }
0x5f: {  	_ =	shalt  }
0x60: {  	_ =	shalt  }
0x61: {  	_ =	shalt  }
0x62: {  	_ =	shalt  }
0x63: {  	_ =	shalt  }
0x64: {  	_ =	shalt  }
0x65: {  	_ =	shalt  }
0x66: {  	_ =	shalt  }
0x67: {  	_ =	shalt  }
0x68: {  	_ =	shalt  }
0x69: {  	_ =	shalt  }
0x6a: {  	_ =	shalt  }
0x6b: {  	_ =	shalt  }
0x6c: {  	_ =	shalt  }
0x6d: {  	_ =	shalt  }
0x6e: {  	_ =	shalt  }
0x6f: {  	_ =	shalt  }
0x70: {  	_ =	shalt  }
0x71: {  	_ =	shalt  }
0x72: {  	_ =	shalt  }
0x73: {  	_ =	shalt  }
0x74: {  	_ =	shalt  }
0x75: {  	_ =	shalt  }
0x76: {  	_ =	shalt  }
0x77: {  	_ =	shalt  }
0x78: {  	_ =	shalt  }
0x79: {  	_ =	shalt  }
0x7a: {  	_ =	shalt  }
0x7b: {  	_ =	shalt  }
0x7c: {  	_ =	shalt  }
0x7d: {  	_ =	shalt  }
0x7e: {  	_ =	shalt  }
0x7f: {  	_ =	shalt  }
0x80: {  	_ =	shalt  }
0x81: {  	_ =	shalt  }
0x82: {  	_ =	shalt  }
0x83: {  	_ =	shalt  }
0x84: {  	_ =	shalt  }
0x85: {  	_ =	shalt  }
0x86: {  	_ =	shalt  }
0x87: {  	_ =	shalt  }
.Lfunc_end0:
.L_simem_size_0:
called_computation.1_lowered:
.L_overlay_start_0:
0x88: {  	s2 =	sld [smem:$0x3FD9]  }
0x89: {  	s3 =	sld [smem:$0x3FFE];
	_ =	sdelay $0x1  }
0x8a: {  	s1 =	srdreg.scid  }
0x8b: {  	s0 =	sand.u32 $0x1, s1  }
0x8c: {  	s17 =	sshll.u32 s0, $0xA;
	s2 =	sadd.s32 s3, s2  }
0x8d: {  	s2 =	sadd.s32 s2, s17  }
0x8e: {  	[smem:$0x3FB4] =	sst s2  }
0x8f: {  	_ = 	snop  }
0x90: {  	s2 =	sld [smem:$0x3FD0];
	(tm) =	ssettm $0x1  }
0x91: {  	s18 =	sld [smem:$0x3FFB];
	_ =	sdelay $0x3  }
0x92: {  	_ =	strace s18  }
0x93: {  	s3 =	sld [smem:$0x3FFC];
	_ =	sdelay $0x3  }
0x94: {  	_ =	strace s3  }
0x95: {  	s3 =	sld [smem:$0x3FFD];
	_ =	sdelay $0x3  }
0x96: {  	_ =	strace s3  }
0x97: {  	_ =	strace $0x8FFFFFFF  }
0x98: {  	s19 =	sld [smem:$0x3FDB];
	_ =	sdelay $0x1  }
0x99: {  	s4 =	simm.s32 $_scs_section_size  }
0x9a: {  	s5 =	simm.s32 $_size__tile_overlayer_lowered;
	s6 =	simm.s32 $_tile_overlayer_lowered  }
0x9b: {  	s22 =	simm.s32 $0x1BFF;
	s21 =	sshll.u32 s6, $0x1;
	s3 =	sadd.s32 s4, s19  }
0x9c: {  	s7 =	simm.s32 $0x0;
	s20 =	sshll.u32 s5, $0x1;
	s5 =	sadd.s32 s21, s3  }
0x9d: {  	[timem:s7], [sflag:s22] =	dma.local [hbm:s5], s20  }
0x9e: {  	_ =	swait.ge [sflag:s22], s20  }
0x9f: {  	s4 =	ssub.s32 $0x0, s20;
	[sflag:s22] =	ssyncset.done $0x0  }
0xa0: {  	[sflag:s22] =	ssyncadd.s32 s4;
	_ =	sdelay $0x1  }
0xa1: {  	s23 =	simm.s32 $0x1B8B  }
0xa2: {  	_ =	swait.ge [sflag:s23], $0x1  }
0xa3: {  	[sflag:s23] =	ssyncset.done $0x0  }
0xa4: {  	s25 =	simm.s32 $0x1B8E;
	s24 =	sld [smem:$0x3FFE];
	[sflag:s23] =	ssyncadd.s32 $0xFFFFFFFF  }
0xa5: {  	s26 =	simm.s32 $execute0_lowered;
	[smem:$0x3FD2] =	sst s25  }
0xa6: {  	s5 =	sshll.u32 s26, $0x1;
	_ =	strace $0x80000046;
	[dreg:$0x1] =	wrdreg $0xFFFFFFFF  }
0xa7: {  	s28 =	simm.s32 $_size_execute0_lowered;
	s3 =	sadd.s32 s3, s5;
	[dreg:$0x0] =	wrdreg $0x0  }
0xa8: {  	s5 =	sshll.u32 s28, $0x1;
	[dreg:$0x2] =	wrdreg s3  }
0xa9: {  	[dreg:$0x3] =	wrdreg s5  }
0xaa: {  	[dreg:$0x4] =	wrdreg $0xC0  }
0xab: {  	_ =	task [dreg:s7], $0x5FFFF  }
0xac: {  	[dreg:$0x1] =	wrdreg $0xFFFFFFFF  }
0xad: {  	[dreg:$0x0] =	wrdreg $0x60  }
0xae: {  	[dreg:$0x2] =	wrdreg s24  }
0xaf: {  	[dreg:$0x3] =	wrdreg s2  }
0xb0: {  	[dreg:$0x4] =	wrdreg $0x9  }
0xb1: {  	_ =	task.clear_ibuf [dreg:s7], $0x5FFFF;
	_ =	strace $0x90000046  }
0xb2: {  	s29 =	simm.s32 $0x9;
	_ =	strace $0x80000048  }
0xb3: {  	_ =	swait.ge [sflag:s29], $0x1  }
0xb4: {  	[sflag:s29] =	ssyncadd.s32 $0xFFFFFFFF  }
0xb5: {  	_ =	strace $0x90000048  }
0xb6: {  	_ =	sfence  }
0xb7: {  	s30 =	sld [smem:$0x0];
	_ =	sdelay $0x2  }
0xb8: {  	s31 =	sshll.u32 s1, $0xD;
	s1 =	sshrl.u32 s1, $0x2  }
0xb9: {  	s3 =	sand.u32 $0x4000, s31;
	s1 =	sadd.s32 s1, s30  }
0xba: {  	s0 =	sor.u32 s3, s0;
	s1 =	sshll.u32 s1, $0x11  }
0xbb: {  	s0 =	sor.u32 s1, s0  }
0xbc: {  	s0 =	sadd.s32 $0x8F2B, s0  }
0xbd: {  	[sflag:s0] =	ssyncadd.remote.s32 $0x1  }
0xbe: {  	_ =	sfence.sel $0xFFFF  }
0xbf: {  	[dreg:$0x0] =	wrdreg $0xFFFFFFFF;
	(pc) =	sbr.abs _section_cstart, $3  }
0xc0: {  	[dreg:$0x1] =	wrdreg $0xFFFFFFFF  }
0xc1: {  	_ =	task.clear_ibuf [dreg:s7], $0x2FFFF;
	_ =	strace $0x9FFFFFFF  }
0xc2: {  	(tm) =	ssettm $0x7FFFFFFF  }
0xc3: {  	_ =	shalt  }
tec
execute0_lowered:
.L_overlay_start_1:
0x0: {  	(tag) =	ssettag $0x1  }
0x1: {  	s2 =	rddreg [dreg:$0x0]  }
0x2: {  	s0 =	rddreg [dreg:$0x1]  }
0x3: {  	s11 =	rddreg [dreg:$0x2];
	s10 =	simm.s32 $0x0  }
0x4: {  	[smem:$0x7FF] =	sst s10;
	s1 =	sadd.s32 $0x56AE00, s2  }
0x5: {  	s25 =	sadd.s32 $0x509200, s2;
	_ =	strace $0x80000047;
	[dreg:$0x3] =	wrdreg s1  }
0x6: {  	s26 =	sadd.s32 $0x4A7600, s2;
	[dreg:$0x4] =	wrdreg s25  }
0x7: {  	s28 =	sadd.s32 $0x445A00, s2;
	[dreg:$0x5] =	wrdreg s26  }
0x8: {  	s29 =	sadd.s32 $0x3E3E00, s2;
	[dreg:$0x6] =	wrdreg s28  }
0x9: {  	s30 =	sadd.s32 $0x382200, s2;
	[dreg:$0x7] =	wrdreg s29  }
0xa: {  	s31 =	sadd.s32 $0x320600, s2;
	[dreg:$0x8] =	wrdreg s30  }
0xb: {  	s3 =	sadd.s32 $0x2BEA00, s2;
	[dreg:$0x9] =	wrdreg s31  }
0xc: {  	s4 =	sadd.s32 $0x25CE00, s2;
	[dreg:$0xa] =	wrdreg s3  }
0xd: {  	s5 =	sadd.s32 $0x1FB200, s2;
	[dreg:$0xb] =	wrdreg s4  }
0xe: {  	s6 =	sadd.s32 $0x878E00, s2;
	[dreg:$0xc] =	wrdreg s5  }
0xf: {  	s7 =	sadd.s32 $0x817200, s2;
	s8 =	sadd.s32 $0x753A00, s2;
	[dreg:$0xd] =	wrdreg s6  }
0x10: {  	s12 =	sadd.s32 $0x6F1E00, s2;
	s3 =	srdreg.scid;
	[dreg:$0xe] =	wrdreg s7  }
0x11: {  	s14 =	sadd.s32 $0x690200, s2;
	s5 =	stileid.u32;
	[dreg:$0x10] =	wrdreg s8  }
0x12: {  	s4 =	sadd.s32 $0x7B5600, s2;
	[dreg:$0x11] =	wrdreg s12;
	s1 =	sand.u32 $0x1, s3  }
0x13: {  	[dreg:$0x12] =	wrdreg s14;
	s9 =	sshll.u32 s5, $0xA;
	s13 =	sshll.u32 s1, $0x9  }
0x14: {  	s15 =	sadd.s32 $0x62E600, s2;
	[dreg:$0xf] =	wrdreg s4;
	s4 =	sor.u32 s13, s9  }
0x15: {  	s16 =	sadd.s32 $0x5CCA00, s2;
	[dreg:$0x13] =	wrdreg s15;
	s5 =	sshrl.u32 s4, $0x3  }
0x16: {  	[dreg:$0x14] =	wrdreg s16;
	s5 =	sadd.s32 s5, s2;
	s2 =	sadd.s32 $0x199600, s2  }
0x17: {  	[dreg:$0x15] =	wrdreg s2;
	s17 =	sadd.s32 $0x12A00, s5  }
0x18: {  	s18 =	sadd.s32 $0x13200, s5;
	[dreg:$0x16] =	wrdreg s17  }
0x19: {  	s19 =	sadd.s32 $0x13A00, s5;
	[dreg:$0x17] =	wrdreg s18  }
0x1a: {  	s20 =	sadd.s32 $0x14200, s5;
	[dreg:$0x18] =	wrdreg s19  }
0x1b: {  	s21 =	sadd.s32 $0x14A00, s5;
	[dreg:$0x19] =	wrdreg s20  }
0x1c: {  	s22 =	sadd.s32 $0x15200, s5;
	[dreg:$0x1a] =	wrdreg s21  }
0x1d: {  	s23 =	sadd.s32 $0x15A00, s5;
	[dreg:$0x1b] =	wrdreg s22  }
0x1e: {  	s24 =	sadd.s32 $0x16200, s5;
	[dreg:$0x1c] =	wrdreg s23  }
0x1f: {  	s25 =	sadd.s32 $0x16A00, s5;
	[dreg:$0x1d] =	wrdreg s24  }
0x20: {  	s26 =	sadd.s32 $0x17200, s5;
	[dreg:$0x1e] =	wrdreg s25  }
0x21: {  	s28 =	sadd.s32 $0x17A00, s5;
	[dreg:$0x1f] =	wrdreg s26  }
0x22: {  	s29 =	sadd.s32 $0x18200, s5;
	[smem:$0x7E2] =	sst s28  }
0x23: {  	s30 =	sadd.s32 $0x18A00, s5;
	[smem:$0x7E3] =	sst s29  }
0x24: {  	s31 =	sadd.s32 $0x19200, s5;
	[smem:$0x7E4] =	sst s30  }
0x25: {  	s3 =	sadd.s32 $0x19A00, s5;
	[smem:$0x7E5] =	sst s31  }
0x26: {  	s6 =	sadd.s32 $0x1A200, s5;
	[smem:$0x7E6] =	sst s3  }
0x27: {  	s7 =	sadd.s32 $0x1AA00, s5;
	[smem:$0x7E7] =	sst s6  }
0x28: {  	s8 =	smul.u32 $0x4C, s4;
	s9 =	sadd.s32 $0x1B200, s5;
	[smem:$0x7E8] =	sst s7  }
0x29: {  	s12 =	sadd.s32 $0x1BA00, s5;
	[smem:$0x7E9] =	sst s9  }
0x2a: {  	s3 =	sadd.s32 s0, s8;
	[smem:$0x7EA] =	sst s12  }
0x2b: {  	s0 =	sadd.s32 $0x4, s3;
	[smem:$0x7FC] =	sst s3  }
0x2c: {  	s13 =	sadd.s32 $0x8, s3;
	[smem:$0x7EB] =	sst s0  }
0x2d: {  	s14 =	sadd.s32 $0xC, s3;
	[smem:$0x7EC] =	sst s13  }
0x2e: {  	s15 =	sadd.s32 $0x10, s3;
	[smem:$0x7ED] =	sst s14  }
0x2f: {  	p0 =	por $0x0, $0x0;
	s16 =	sadd.s32 $0x14, s3;
	[smem:$0x7EE] =	sst s15  }
0x30: {  	s1 =	ssub.s32 $0x2, s1;
	s17 =	sadd.s32 $0x18, s3;
	[smem:$0x7EF] =	sst s16  }
0x31: {  	s4 =	simm.s32 $0x2;
	s18 =	sadd.s32 $0x1C, s3;
	[smem:$0x7F0] =	sst s17  }
0x32: {  	s5 =	simm.s32 $0x20;
	s19 =	sadd.s32 $0x20, s3;
	[smem:$0x7F1] =	sst s18  }
0x33: {  	s29 =	sshrl.u32 s1, $0x1;
	s20 =	sadd.s32 $0x24, s3;
	[smem:$0x7F2] =	sst s19  }
0x34: {  	s6 =	simm.s32 $0x200;
	s21 =	sadd.s32 $0x28, s3;
	[smem:$0x7F3] =	sst s20  }
0x35: {  	s12 =	simm.s32 $0xA600;
	s22 =	sadd.s32 $0x2C, s3;
	[smem:$0x7F4] =	sst s21  }
0x36: {  	s8 =	simm.s32 $0x16600;
	s23 =	sadd.s32 $0x30, s3;
	[smem:$0x7F5] =	sst s22  }
0x37: {  	s7 =	simm.s32 $0x260;
	s24 =	sadd.s32 $0x34, s3;
	[smem:$0x7F6] =	sst s23  }
0x38: {  	s25 =	sadd.s32 $0x38, s3;
	s1 =	ssub.s32 s1, s29;
	[smem:$0x7F7] =	sst s24  }
0x39: {  	s26 =	sadd.s32 $0x3C, s3;
	[smem:$0x7F8] =	sst s25;
	s2 =	smax.u32 s1, $0x1  }
0x3a: {  	s28 =	sadd.s32 $0x40, s3;
	[smem:$0x7F9] =	sst s26;
	p1 =	sne.s32 s2, $0x1  }
.Ltmp0:
0x3b: {  	s30 =	sadd.s32 $0x44, s3;
	[smem:$0x7FA] =	sst s28;
	(pc) =	sbr.rel @!p1 .LBB2_1-.Ltmp0, $4  }
0x3c: {  	s31 =	sadd.s32 $0x48, s3;
	s3 =	simm.s32 $0x2600;
	[smem:$0x7FB] =	sst s30  }
0x3d: {  	[smem:$0x7FD] =	sst s31;
	s22 =	simm.s32 $0x400;
	s20 =	simm.s32 $0x600  }
0x3e: {  	s16 =	simm.s32 $0xA00;
	s1 =	simm.s32 $0x1;
	s13 =	simm.s32 $0x6600  }
0x3f: {  	s15 =	rddreg [dreg:$0x16];
	s0 =	sadd.s32 $0xFFFFFFFF, s2;
	s2 =	simm.s32 $0x3  }
0x40: {  	s14 =	rddreg [dreg:$0x17]  }
0x41: {  	[tilespmem:s10], [sflag:$0x1] =	stream.linear.gather [hbm4b:s15+s10], $0x200, $0x38;
	[tilespmem:$0x1A600] =	vst v63  }
0x42: {  	s23 =	rddreg [dreg:$0x18]  }
0x43: {  	[tilespmem:s6], [sflag:$0x1] =	stream.linear.gather [hbm4b:s14+s10], $0x200, $0x38;
	[tilespmem:$0x1A600] =	vst v63  }
0x44: {  	s24 =	rddreg [dreg:$0x19]  }
0x45: {  	[tilespmem:s22], [sflag:$0x1] =	stream.linear.gather [hbm4b:s23+s10], $0x200, $0x38;
	[tilespmem:$0x1A600] =	vst v63  }
0x46: {  	s25 =	rddreg [dreg:$0x1a]  }
0x47: {  	[tilespmem:s20], [sflag:$0x1] =	stream.linear.gather [hbm4b:s24+s10], $0x200, $0x38;
	[tilespmem:$0x1A600] =	vst v63  }
0x48: {  	s26 =	rddreg [dreg:$0x1b];
	s19 =	simm.s32 $0x800  }
0x49: {  	[tilespmem:s19], [sflag:$0x1] =	stream.linear.gather [hbm4b:s25+s10], $0x200, $0x38;
	[tilespmem:$0x1A600] =	vst v63  }
0x4a: {  	s28 =	rddreg [dreg:$0x1c]  }
0x4b: {  	[tilespmem:s16], [sflag:$0x1] =	stream.linear.gather [hbm4b:s26+s10], $0x200, $0x38;
	[tilespmem:$0x1A600] =	vst v63  }
0x4c: {  	s29 =	rddreg [dreg:$0x1d];
	s17 =	simm.s32 $0xC00  }
0x4d: {  	[tilespmem:s17], [sflag:$0x1] =	stream.linear.gather [hbm4b:s28+s10], $0x200, $0x38;
	[tilespmem:$0x1A600] =	vst v63  }
0x4e: {  	s30 =	rddreg [dreg:$0x1e];
	s31 =	simm.s32 $0xE00  }
0x4f: {  	[tilespmem:s31], [sflag:$0x1] =	stream.linear.gather [hbm4b:s29+s10], $0x200, $0x38;
	[tilespmem:$0x1A600] =	vst v63  }
0x50: {  	s11 =	rddreg [dreg:$0x1f];
	s29 =	simm.s32 $0x1000  }
0x51: {  	[tilespmem:s29], [sflag:$0x1] =	stream.linear.gather [hbm4b:s30+s10], $0x200, $0x38;
	[tilespmem:$0x1A600] =	vst v63  }
0x52: {  	s18 =	sld [smem:$0x7E2];
	s30 =	simm.s32 $0x1200  }
0x53: {  	[tilespmem:s30], [sflag:$0x1] =	stream.linear.gather [hbm4b:s11+s10], $0x200, $0x38;
	[tilespmem:$0x1A600] =	vst v63  }
0x54: {  	s21 =	sld [smem:$0x7E3];
	s26 =	simm.s32 $0x1400  }
0x55: {  	[tilespmem:s26], [sflag:$0x1] =	stream.linear.gather [hbm4b:s18+s10], $0x200, $0x38;
	[tilespmem:$0x1A600] =	vst v63  }
0x56: {  	s23 =	simm.s32 $0x1600;
	s24 =	sld [smem:$0x7E4]  }
0x57: {  	[tilespmem:s23], [sflag:$0x1] =	stream.linear.gather [hbm4b:s21+s10], $0x200, $0x38;
	[tilespmem:$0x1A600] =	vst v63  }
0x58: {  	s25 =	simm.s32 $0x1800;
	s28 =	sld [smem:$0x7E5]  }
0x59: {  	[tilespmem:s25], [sflag:$0x1] =	stream.linear.gather [hbm4b:s24+s10], $0x200, $0x38;
	[tilespmem:$0x1A600] =	vst v63  }
0x5a: {  	s18 =	simm.s32 $0x1A00;
	s21 =	sld [smem:$0x7E6]  }
0x5b: {  	[tilespmem:s18], [sflag:$0x1] =	stream.linear.gather [hbm4b:s28+s10], $0x200, $0x38;
	[tilespmem:$0x1A600] =	vst v63  }
0x5c: {  	s24 =	simm.s32 $0x1C00;
	s28 =	sld [smem:$0x7E7]  }
0x5d: {  	[tilespmem:s24], [sflag:$0x1] =	stream.linear.gather [hbm4b:s21+s10], $0x200, $0x38;
	[tilespmem:$0x1A600] =	vst v63  }
0x5e: {  	s15 =	sld [smem:$0x7E8];
	s21 =	simm.s32 $0x1E00  }
0x5f: {  	[tilespmem:s21], [sflag:$0x1] =	stream.linear.gather [hbm4b:s28+s10], $0x200, $0x38;
	[tilespmem:$0x1A600] =	vst v63  }
0x60: {  	s14 =	sld [smem:$0x7E9];
	s28 =	simm.s32 $0x2000  }
0x61: {  	[tilespmem:s28], [sflag:$0x1] =	stream.linear.gather [hbm4b:s15+s10], $0x200, $0x38;
	[tilespmem:$0x1A600] =	vst v63  }
0x62: {  	s15 =	sld [smem:$0x7EA];
	s28 =	simm.s32 $0x2200  }
0x63: {  	[tilespmem:s28], [sflag:$0x1] =	stream.linear.gather [hbm4b:s14+s10], $0x200, $0x38;
	[tilespmem:$0x1A600] =	vst v63  }
0x64: {  	s14 =	simm.s32 $0x2400  }
0x65: {  	[tilespmem:s14], [sflag:$0x1] =	stream.linear.gather [hbm4b:s15+s10], $0x200, $0x38;
	[tilespmem:$0x1A600] =	vst v63  }
0x66: {  	_ =	swait.ge [sflag:s1], $0x200  }
0x67: {  	[sflag:s1] =	ssyncset.done $0x0  }
0x68: {  	[sflag:s1] =	ssyncadd.s32 $0xFFFFFE00  }
0x69: {  	_ =	swait.ge [sflag:s1], $0x200  }
0x6a: {  	[sflag:s1] =	ssyncset.done $0x0  }
0x6b: {  	[sflag:s1] =	ssyncadd.s32 $0xFFFFFE00  }
0x6c: {  	_ =	swait.ge [sflag:s1], $0x200  }
0x6d: {  	[sflag:s1] =	ssyncset.done $0x0  }
0x6e: {  	[sflag:s1] =	ssyncadd.s32 $0xFFFFFE00  }
0x6f: {  	_ =	swait.ge [sflag:s1], $0x200  }
0x70: {  	[sflag:s1] =	ssyncset.done $0x0  }
0x71: {  	[sflag:s1] =	ssyncadd.s32 $0xFFFFFE00  }
0x72: {  	_ =	swait.ge [sflag:s1], $0x200  }
0x73: {  	[sflag:s1] =	ssyncset.done $0x0  }
0x74: {  	[sflag:s1] =	ssyncadd.s32 $0xFFFFFE00  }
0x75: {  	_ =	swait.ge [sflag:s1], $0x200  }
0x76: {  	[sflag:s1] =	ssyncset.done $0x0  }
0x77: {  	[sflag:s1] =	ssyncadd.s32 $0xFFFFFE00  }
0x78: {  	_ =	swait.ge [sflag:s1], $0x200  }
0x79: {  	[sflag:s1] =	ssyncset.done $0x0  }
0x7a: {  	[sflag:s1] =	ssyncadd.s32 $0xFFFFFE00  }
0x7b: {  	_ =	swait.ge [sflag:s1], $0x200  }
0x7c: {  	[sflag:s1] =	ssyncset.done $0x0  }
0x7d: {  	[sflag:s1] =	ssyncadd.s32 $0xFFFFFE00  }
0x7e: {  	_ =	swait.ge [sflag:s1], $0x200  }
0x7f: {  	[sflag:s1] =	ssyncset.done $0x0  }
0x80: {  	[sflag:s1] =	ssyncadd.s32 $0xFFFFFE00  }
0x81: {  	_ =	swait.ge [sflag:s1], $0x200  }
0x82: {  	[sflag:s1] =	ssyncset.done $0x0  }
0x83: {  	[sflag:s1] =	ssyncadd.s32 $0xFFFFFE00  }
0x84: {  	_ =	swait.ge [sflag:s1], $0x200  }
0x85: {  	[sflag:s1] =	ssyncset.done $0x0  }
0x86: {  	[sflag:s1] =	ssyncadd.s32 $0xFFFFFE00  }
0x87: {  	_ =	swait.ge [sflag:s1], $0x200  }
0x88: {  	[sflag:s1] =	ssyncset.done $0x0  }
0x89: {  	[sflag:s1] =	ssyncadd.s32 $0xFFFFFE00  }
0x8a: {  	_ =	swait.ge [sflag:s1], $0x200  }
0x8b: {  	[sflag:s1] =	ssyncset.done $0x0  }
0x8c: {  	[sflag:s1] =	ssyncadd.s32 $0xFFFFFE00  }
0x8d: {  	_ =	swait.ge [sflag:s1], $0x200  }
0x8e: {  	[sflag:s1] =	ssyncset.done $0x0  }
0x8f: {  	[sflag:s1] =	ssyncadd.s32 $0xFFFFFE00  }
0x90: {  	_ =	swait.ge [sflag:s1], $0x200  }
0x91: {  	[sflag:s1] =	ssyncset.done $0x0  }
0x92: {  	[sflag:s1] =	ssyncadd.s32 $0xFFFFFE00  }
0x93: {  	_ =	swait.ge [sflag:s1], $0x200  }
0x94: {  	[sflag:s1] =	ssyncset.done $0x0  }
0x95: {  	[sflag:s1] =	ssyncadd.s32 $0xFFFFFE00  }
0x96: {  	_ =	swait.ge [sflag:s1], $0x200  }
0x97: {  	[sflag:s1] =	ssyncset.done $0x0  }
0x98: {  	[sflag:s1] =	ssyncadd.s32 $0xFFFFFE00  }
0x99: {  	_ =	swait.ge [sflag:s1], $0x200  }
0x9a: {  	[sflag:s1] =	ssyncset.done $0x0  }
0x9b: {  	[sflag:s1] =	ssyncadd.s32 $0xFFFFFE00  }
0x9c: {  	_ =	swait.ge [sflag:s1], $0x200  }
0x9d: {  	[sflag:s1] =	ssyncset.done $0x0  }
0x9e: {  	s14 =	rddreg [dreg:$0x3];
	[sflag:s1] =	ssyncadd.s32 $0xFFFFFE00  }
0x9f: {  	[tilespmem:s3], [sflag:$0x2] =	stream.indirect.gather [hbm4b:s14+s6], $0x20, s10, s6, $0xb8;
	[tilespmem:$0x1A600] =	vst v63  }
0xa0: {  	s15 =	rddreg [dreg:$0x4]  }
0xa1: {  	[tilespmem:s13], [sflag:$0x2] =	stream.indirect.gather [hbm4b:s15+s6], $0x20, s6, s6, $0xb8;
	[tilespmem:$0x1A600] =	vst v63  }
0xa2: {  	s14 =	rddreg [dreg:$0x5]  }
0xa3: {  	[tilespmem:s12], [sflag:$0x2] =	stream.indirect.gather [hbm4b:s14+s6], $0x20, s22, s6, $0xb8;
	[tilespmem:$0x1A600] =	vst v63  }
0xa4: {  	s11 =	simm.s32 $0xE600;
	s15 =	rddreg [dreg:$0x6]  }
0xa5: {  	[tilespmem:s11], [sflag:$0x2] =	stream.indirect.gather [hbm4b:s15+s6], $0x20, s20, s6, $0xb8;
	[tilespmem:$0x1A600] =	vst v63  }
0xa6: {  	s9 =	simm.s32 $0x12600;
	s14 =	rddreg [dreg:$0x7]  }
0xa7: {  	[tilespmem:s9], [sflag:$0x2] =	stream.indirect.gather [hbm4b:s14+s6], $0x20, s19, s6, $0xb8;
	[tilespmem:$0x1A600] =	vst v63  }
0xa8: {  	s22 =	rddreg [dreg:$0x8]  }
0xa9: {  	[tilespmem:s8], [sflag:$0x2] =	stream.indirect.gather [hbm4b:s22+s6], $0x20, s16, s6, $0xb8;
	[tilespmem:$0x1A600] =	vst v63  }
0xaa: {  	_ =	swait.ge [sflag:s4], $0x4000  }
0xab: {  	s15 =	sld [smem:$0x7FC]  }
0xac: {  	[sflag:s4] =	ssyncset.done $0x0  }
0xad: {  	[sflag:s4] =	ssyncadd.s32 $0xFFFFC000  }
0xae: {  	[hbm4b:s15+s5] =	stream.strided.scatter [tilespmem:s3], [sflag:$0x3], $0x4000, s7, s5, $0x38;
	[tilespmem:$0x1A600] =	vst v63  }
0xaf: {  	_ =	swait.ge [sflag:s2], $0x4000  }
0xb0: {  	[sflag:s2] =	ssyncset.done $0x0  }
0xb1: {  	s16 =	rddreg [dreg:$0x9];
	[sflag:s2] =	ssyncadd.s32 $0xFFFFC000  }
0xb2: {  	[tilespmem:s3], [sflag:$0x2] =	stream.indirect.gather [hbm4b:s16+s6], $0x20, s17, s6, $0xb8;
	[tilespmem:$0x1A600] =	vst v63  }
0xb3: {  	_ =	swait.ge [sflag:s4], $0x4000  }
0xb4: {  	s17 =	sld [smem:$0x7EB]  }
0xb5: {  	[sflag:s4] =	ssyncset.done $0x0  }
0xb6: {  	[sflag:s4] =	ssyncadd.s32 $0xFFFFC000  }
0xb7: {  	[hbm4b:s17+s5] =	stream.strided.scatter [tilespmem:s13], [sflag:$0x3], $0x4000, s7, s5, $0x38;
	[tilespmem:$0x1A600] =	vst v63  }
0xb8: {  	_ =	swait.ge [sflag:s2], $0x4000  }
0xb9: {  	[sflag:s2] =	ssyncset.done $0x0  }
0xba: {  	s19 =	rddreg [dreg:$0xa];
	[sflag:s2] =	ssyncadd.s32 $0xFFFFC000  }
0xbb: {  	[tilespmem:s13], [sflag:$0x2] =	stream.indirect.gather [hbm4b:s19+s6], $0x20, s31, s6, $0xb8;
	[tilespmem:$0x1A600] =	vst v63  }
0xbc: {  	_ =	swait.ge [sflag:s4], $0x4000  }
0xbd: {  	s20 =	sld [smem:$0x7EC]  }
0xbe: {  	[sflag:s4] =	ssyncset.done $0x0  }
0xbf: {  	[sflag:s4] =	ssyncadd.s32 $0xFFFFC000  }
0xc0: {  	[hbm4b:s20+s5] =	stream.strided.scatter [tilespmem:s12], [sflag:$0x3], $0x4000, s7, s5, $0x38;
	[tilespmem:$0x1A600] =	vst v63  }
0xc1: {  	_ =	swait.ge [sflag:s2], $0x4000  }
0xc2: {  	[sflag:s2] =	ssyncset.done $0x0  }
0xc3: {  	s22 =	rddreg [dreg:$0xb];
	[sflag:s2] =	ssyncadd.s32 $0xFFFFC000  }
0xc4: {  	[tilespmem:s12], [sflag:$0x2] =	stream.indirect.gather [hbm4b:s22+s6], $0x20, s29, s6, $0xb8;
	[tilespmem:$0x1A600] =	vst v63  }
0xc5: {  	_ =	swait.ge [sflag:s4], $0x4000  }
0xc6: {  	s31 =	sld [smem:$0x7ED]  }
0xc7: {  	[sflag:s4] =	ssyncset.done $0x0  }
0xc8: {  	[sflag:s4] =	ssyncadd.s32 $0xFFFFC000  }
0xc9: {  	[hbm4b:s31+s5] =	stream.strided.scatter [tilespmem:s11], [sflag:$0x3], $0x4000, s7, s5, $0x38;
	[tilespmem:$0x1A600] =	vst v63  }
0xca: {  	_ =	swait.ge [sflag:s2], $0x4000  }
0xcb: {  	[sflag:s2] =	ssyncset.done $0x0  }
0xcc: {  	s15 =	rddreg [dreg:$0xc];
	[sflag:s2] =	ssyncadd.s32 $0xFFFFC000  }
0xcd: {  	[tilespmem:s11], [sflag:$0x2] =	stream.indirect.gather [hbm4b:s15+s6], $0x20, s30, s6, $0xb8;
	[tilespmem:$0x1A600] =	vst v63  }
0xce: {  	_ =	swait.ge [sflag:s4], $0x4000  }
0xcf: {  	s16 =	sld [smem:$0x7EE]  }
0xd0: {  	[sflag:s4] =	ssyncset.done $0x0  }
0xd1: {  	s9 =	simm.s32 $0x12600;
	[sflag:s4] =	ssyncadd.s32 $0xFFFFC000  }
0xd2: {  	[hbm4b:s16+s5] =	stream.strided.scatter [tilespmem:s9], [sflag:$0x3], $0x4000, s7, s5, $0x38;
	[tilespmem:$0x1A600] =	vst v63  }
0xd3: {  	_ =	swait.ge [sflag:s2], $0x4000  }
0xd4: {  	[sflag:s2] =	ssyncset.done $0x0  }
0xd5: {  	s17 =	rddreg [dreg:$0xd];
	[sflag:s2] =	ssyncadd.s32 $0xFFFFC000  }
0xd6: {  	[tilespmem:s9], [sflag:$0x2] =	stream.indirect.gather [hbm4b:s17+s6], $0x20, s26, s6, $0xb8;
	[tilespmem:$0x1A600] =	vst v63  }
0xd7: {  	_ =	swait.ge [sflag:s4], $0x4000  }
0xd8: {  	s19 =	sld [smem:$0x7EF]  }
0xd9: {  	[sflag:s4] =	ssyncset.done $0x0  }
0xda: {  	[sflag:s4] =	ssyncadd.s32 $0xFFFFC000  }
0xdb: {  	[hbm4b:s19+s5] =	stream.strided.scatter [tilespmem:s8], [sflag:$0x3], $0x4000, s7, s5, $0x38;
	[tilespmem:$0x1A600] =	vst v63  }
0xdc: {  	_ =	swait.ge [sflag:s2], $0x4000  }
0xdd: {  	[sflag:s2] =	ssyncset.done $0x0  }
0xde: {  	s20 =	rddreg [dreg:$0xe];
	[sflag:s2] =	ssyncadd.s32 $0xFFFFC000  }
0xdf: {  	[tilespmem:s8], [sflag:$0x2] =	stream.indirect.gather [hbm4b:s20+s6], $0x20, s23, s6, $0xb8;
	[tilespmem:$0x1A600] =	vst v63  }
0xe0: {  	_ =	swait.ge [sflag:s4], $0x4000  }
0xe1: {  	s22 =	sld [smem:$0x7F0]  }
0xe2: {  	[sflag:s4] =	ssyncset.done $0x0  }
0xe3: {  	[sflag:s4] =	ssyncadd.s32 $0xFFFFC000  }
0xe4: {  	[hbm4b:s22+s5] =	stream.strided.scatter [tilespmem:s3], [sflag:$0x3], $0x4000, s7, s5, $0x38;
	[tilespmem:$0x1A600] =	vst v63  }
0xe5: {  	_ =	swait.ge [sflag:s2], $0x4000  }
0xe6: {  	[sflag:s2] =	ssyncset.done $0x0  }
0xe7: {  	s23 =	rddreg [dreg:$0xf];
	[sflag:s2] =	ssyncadd.s32 $0xFFFFC000  }
0xe8: {  	[tilespmem:s3], [sflag:$0x2] =	stream.indirect.gather [hbm4b:s23+s6], $0x20, s25, s6, $0xb8;
	[tilespmem:$0x1A600] =	vst v63  }
0xe9: {  	_ =	swait.ge [sflag:s4], $0x4000  }
0xea: {  	s26 =	sld [smem:$0x7F1]  }
0xeb: {  	[sflag:s4] =	ssyncset.done $0x0  }
0xec: {  	[sflag:s4] =	ssyncadd.s32 $0xFFFFC000  }
0xed: {  	[hbm4b:s26+s5] =	stream.strided.scatter [tilespmem:s13], [sflag:$0x3], $0x4000, s7, s5, $0x38;
	[tilespmem:$0x1A600] =	vst v63  }
0xee: {  	_ =	swait.ge [sflag:s2], $0x4000  }
0xef: {  	[sflag:s2] =	ssyncset.done $0x0  }
0xf0: {  	s29 =	rddreg [dreg:$0x10];
	[sflag:s2] =	ssyncadd.s32 $0xFFFFC000  }
0xf1: {  	[tilespmem:s13], [sflag:$0x2] =	stream.indirect.gather [hbm4b:s29+s6], $0x20, s18, s6, $0xb8;
	[tilespmem:$0x1A600] =	vst v63  }
0xf2: {  	_ =	swait.ge [sflag:s4], $0x4000  }
0xf3: {  	s30 =	sld [smem:$0x7F2]  }
0xf4: {  	[sflag:s4] =	ssyncset.done $0x0  }
0xf5: {  	[sflag:s4] =	ssyncadd.s32 $0xFFFFC000  }
0xf6: {  	[hbm4b:s30+s5] =	stream.strided.scatter [tilespmem:s12], [sflag:$0x3], $0x4000, s7, s5, $0x38;
	[tilespmem:$0x1A600] =	vst v63  }
0xf7: {  	_ =	swait.ge [sflag:s2], $0x4000  }
0xf8: {  	[sflag:s2] =	ssyncset.done $0x0  }
0xf9: {  	s31 =	rddreg [dreg:$0x11];
	[sflag:s2] =	ssyncadd.s32 $0xFFFFC000  }
0xfa: {  	[tilespmem:s12], [sflag:$0x2] =	stream.indirect.gather [hbm4b:s31+s6], $0x20, s24, s6, $0xb8;
	[tilespmem:$0x1A600] =	vst v63  }
0xfb: {  	_ =	swait.ge [sflag:s4], $0x4000  }
0xfc: {  	s15 =	sld [smem:$0x7F3]  }
0xfd: {  	[sflag:s4] =	ssyncset.done $0x0  }
0xfe: {  	s11 =	simm.s32 $0xE600;
	[sflag:s4] =	ssyncadd.s32 $0xFFFFC000  }
0xff: {  	[hbm4b:s15+s5] =	stream.strided.scatter [tilespmem:s11], [sflag:$0x3], $0x4000, s7, s5, $0x38;
	[tilespmem:$0x1A600] =	vst v63  }
0x100: {  	_ =	swait.ge [sflag:s2], $0x4000  }
0x101: {  	[sflag:s2] =	ssyncset.done $0x0  }
0x102: {  	s16 =	rddreg [dreg:$0x12];
	[sflag:s2] =	ssyncadd.s32 $0xFFFFC000  }
0x103: {  	[tilespmem:s11], [sflag:$0x2] =	stream.indirect.gather [hbm4b:s16+s6], $0x20, s21, s6, $0xb8;
	[tilespmem:$0x1A600] =	vst v63  }
0x104: {  	_ =	swait.ge [sflag:s4], $0x4000  }
0x105: {  	s17 =	sld [smem:$0x7F4]  }
0x106: {  	[sflag:s4] =	ssyncset.done $0x0  }
0x107: {  	[sflag:s4] =	ssyncadd.s32 $0xFFFFC000  }
0x108: {  	[hbm4b:s17+s5] =	stream.strided.scatter [tilespmem:s9], [sflag:$0x3], $0x4000, s7, s5, $0x38;
	[tilespmem:$0x1A600] =	vst v63  }
0x109: {  	_ =	swait.ge [sflag:s2], $0x4000  }
0x10a: {  	[sflag:s2] =	ssyncset.done $0x0  }
0x10b: {  	s19 =	simm.s32 $0x2000;
	s18 =	rddreg [dreg:$0x13];
	[sflag:s2] =	ssyncadd.s32 $0xFFFFC000  }
0x10c: {  	[tilespmem:s9], [sflag:$0x2] =	stream.indirect.gather [hbm4b:s18+s6], $0x20, s19, s6, $0xb8;
	[tilespmem:$0x1A600] =	vst v63  }
0x10d: {  	_ =	swait.ge [sflag:s4], $0x4000  }
0x10e: {  	s20 =	sld [smem:$0x7F5]  }
0x10f: {  	[sflag:s4] =	ssyncset.done $0x0  }
0x110: {  	[sflag:s4] =	ssyncadd.s32 $0xFFFFC000  }
0x111: {  	[hbm4b:s20+s5] =	stream.strided.scatter [tilespmem:s8], [sflag:$0x3], $0x4000, s7, s5, $0x38;
	[tilespmem:$0x1A600] =	vst v63  }
0x112: {  	_ =	swait.ge [sflag:s2], $0x4000  }
0x113: {  	[sflag:s2] =	ssyncset.done $0x0  }
0x114: {  	s28 =	simm.s32 $0x2200;
	s21 =	rddreg [dreg:$0x14];
	[sflag:s2] =	ssyncadd.s32 $0xFFFFC000  }
0x115: {  	[tilespmem:s8], [sflag:$0x2] =	stream.indirect.gather [hbm4b:s21+s6], $0x20, s28, s6, $0xb8;
	[tilespmem:$0x1A600] =	vst v63  }
0x116: {  	_ =	swait.ge [sflag:s4], $0x4000  }
0x117: {  	s22 =	sld [smem:$0x7F6]  }
0x118: {  	[sflag:s4] =	ssyncset.done $0x0  }
0x119: {  	[sflag:s4] =	ssyncadd.s32 $0xFFFFC000  }
0x11a: {  	[hbm4b:s22+s5] =	stream.strided.scatter [tilespmem:s3], [sflag:$0x3], $0x4000, s7, s5, $0x38;
	[tilespmem:$0x1A600] =	vst v63  }
0x11b: {  	_ =	swait.ge [sflag:s2], $0x4000  }
0x11c: {  	[sflag:s2] =	ssyncset.done $0x0  }
0x11d: {  	s24 =	simm.s32 $0x2400;
	s23 =	rddreg [dreg:$0x15];
	[sflag:s2] =	ssyncadd.s32 $0xFFFFC000  }
0x11e: {  	[tilespmem:s3], [sflag:$0x2] =	stream.indirect.gather [hbm4b:s23+s6], $0x20, s24, s6, $0xb8;
	[tilespmem:$0x1A600] =	vst v63  }
0x11f: {  	_ =	swait.ge [sflag:s4], $0x4000  }
0x120: {  	s25 =	sld [smem:$0x7F7]  }
0x121: {  	[sflag:s4] =	ssyncset.done $0x0  }
0x122: {  	[sflag:s4] =	ssyncadd.s32 $0xFFFFC000  }
0x123: {  	[hbm4b:s25+s5] =	stream.strided.scatter [tilespmem:s13], [sflag:$0x3], $0x4000, s7, s5, $0x38;
	[tilespmem:$0x1A600] =	vst v63  }
0x124: {  	_ =	swait.ge [sflag:s4], $0x4000  }
0x125: {  	s26 =	sld [smem:$0x7F8]  }
0x126: {  	[sflag:s4] =	ssyncset.done $0x0  }
0x127: {  	[sflag:s4] =	ssyncadd.s32 $0xFFFFC000  }
0x128: {  	[hbm4b:s26+s5] =	stream.strided.scatter [tilespmem:s12], [sflag:$0x3], $0x4000, s7, s5, $0x38;
	[tilespmem:$0x1A600] =	vst v63  }
0x129: {  	_ =	swait.ge [sflag:s4], $0x4000  }
0x12a: {  	s28 =	sld [smem:$0x7F9]  }
0x12b: {  	[sflag:s4] =	ssyncset.done $0x0  }
0x12c: {  	[sflag:s4] =	ssyncadd.s32 $0xFFFFC000  }
0x12d: {  	[hbm4b:s28+s5] =	stream.strided.scatter [tilespmem:s11], [sflag:$0x3], $0x4000, s7, s5, $0x38;
	[tilespmem:$0x1A600] =	vst v63  }
0x12e: {  	_ =	swait.ge [sflag:s4], $0x4000  }
0x12f: {  	s29 =	sld [smem:$0x7FA]  }
0x130: {  	[sflag:s4] =	ssyncset.done $0x0  }
0x131: {  	[sflag:s4] =	ssyncadd.s32 $0xFFFFC000  }
0x132: {  	[hbm4b:s29+s5] =	stream.strided.scatter [tilespmem:s9], [sflag:$0x3], $0x4000, s7, s5, $0x38;
	[tilespmem:$0x1A600] =	vst v63  }
0x133: {  	_ =	swait.ge [sflag:s4], $0x4000  }
0x134: {  	s30 =	sld [smem:$0x7FB]  }
0x135: {  	[sflag:s4] =	ssyncset.done $0x0  }
0x136: {  	[sflag:s4] =	ssyncadd.s32 $0xFFFFC000  }
0x137: {  	[hbm4b:s30+s5] =	stream.strided.scatter [tilespmem:s8], [sflag:$0x3], $0x4000, s7, s5, $0x38;
	[tilespmem:$0x1A600] =	vst v63  }
0x138: {  	_ =	swait.ge [sflag:s4], $0x4000  }
0x139: {  	s31 =	sld [smem:$0x7FD]  }
0x13a: {  	[sflag:s4] =	ssyncset.done $0x0  }
0x13b: {  	[sflag:s4] =	ssyncadd.s32 $0xFFFFC000  }
0x13c: {  	[hbm4b:s31+s5] =	stream.strided.scatter [tilespmem:s3], [sflag:$0x3], $0x4000, s7, s5, $0x38;
	[tilespmem:$0x1A600] =	vst v63  }
0x13d: {  	_ =	swait.ge [sflag:s2], $0x4000  }
0x13e: {  	[sflag:s2] =	ssyncset.done $0x0  }
0x13f: {  	[sflag:s2] =	ssyncadd.s32 $0xFFFFC000  }
0x140: {  	_ =	swait.ge [sflag:s2], $0x4000  }
0x141: {  	[sflag:s2] =	ssyncset.done $0x0  }
0x142: {  	[sflag:s2] =	ssyncadd.s32 $0xFFFFC000  }
0x143: {  	_ =	swait.ge [sflag:s2], $0x4000  }
0x144: {  	[sflag:s2] =	ssyncset.done $0x0  }
0x145: {  	[sflag:s2] =	ssyncadd.s32 $0xFFFFC000  }
0x146: {  	_ =	swait.ge [sflag:s2], $0x4000  }
0x147: {  	[sflag:s2] =	ssyncset.done $0x0  }
0x148: {  	p1 =	sne.s32 s0, $0x1;
	[sflag:s2] =	ssyncadd.s32 $0xFFFFC000  }
.Ltmp1:
0x149: {  	_ =	swait.ge [sflag:s2], $0x4000;
	(pc) =	sbr.rel @!p1 .LBB2_7-.Ltmp1, $4  }
0x14a: {  	[sflag:s2] =	ssyncset.done $0x0  }
0x14b: {  	[sflag:s2] =	ssyncadd.s32 $0xFFFFC000  }
0x14c: {  	p0 =	por $0x1, $0x1;
	_ =	swait.ge [sflag:s2], $0x4000  }
0x14d: {  	s14 =	sadd.s32 $0xFFFFFFFF, s0;
	s15 =	rddreg [dreg:$0x16];
	[sflag:s2] =	ssyncset.done $0x0  }
0x14e: {  	s11 =	simm.s32 $0x12600;
	s9 =	simm.s32 $0xA00  }
0x14f: {  	s17 =	simm.s32 $0xC00;
	s22 =	simm.s32 $0xE00;
	s31 =	simm.s32 $0x1000  }
0x150: {  	s30 =	simm.s32 $0x1200;
	s29 =	simm.s32 $0x1400;
	s25 =	simm.s32 $0x1600  }
0x151: {  	s26 =	simm.s32 $0x1800;
	s18 =	simm.s32 $0x1A00;
	s24 =	simm.s32 $0x1C00  }
0x152: {  	s20 =	simm.s32 $0x1E00;
	s21 =	simm.s32 $0x2000;
	s28 =	simm.s32 $0x2200  }
.LBB2_4:
0x153: {  	[sflag:s2] =	ssyncadd.s32 $0xFFFFC000;
	s16 =	rddreg [dreg:$0x17]  }
0x154: {  	[tilespmem:s10], [sflag:$0x1] =	stream.linear.gather [hbm4b:s15+s10], $0x200, $0x38;
	[tilespmem:$0x1A600] =	vst v63  }
0x155: {  	s13 =	rddreg [dreg:$0x18]  }
0x156: {  	[tilespmem:s6], [sflag:$0x1] =	stream.linear.gather [hbm4b:s16+s10], $0x200, $0x38;
	[tilespmem:$0x1A600] =	vst v63  }
0x157: {  	s19 =	rddreg [dreg:$0x19];
	s8 =	simm.s32 $0x400  }
0x158: {  	[tilespmem:s8], [sflag:$0x1] =	stream.linear.gather [hbm4b:s13+s10], $0x200, $0x38;
	[tilespmem:$0x1A600] =	vst v63  }
0x159: {  	s23 =	simm.s32 $0x600;
	s15 =	rddreg [dreg:$0x1a]  }
0x15a: {  	[tilespmem:s23], [sflag:$0x1] =	stream.linear.gather [hbm4b:s19+s10], $0x200, $0x38;
	[tilespmem:$0x1A600] =	vst v63  }
0x15b: {  	s16 =	rddreg [dreg:$0x1b];
	s19 =	simm.s32 $0x800  }
0x15c: {  	[tilespmem:s19], [sflag:$0x1] =	stream.linear.gather [hbm4b:s15+s10], $0x200, $0x38;
	[tilespmem:$0x1A600] =	vst v63  }
0x15d: {  	s15 =	rddreg [dreg:$0x1c]  }
0x15e: {  	[tilespmem:s9], [sflag:$0x1] =	stream.linear.gather [hbm4b:s16+s10], $0x200, $0x38;
	[tilespmem:$0x1A600] =	vst v63  }
0x15f: {  	s16 =	rddreg [dreg:$0x1d]  }
0x160: {  	[tilespmem:s17], [sflag:$0x1] =	stream.linear.gather [hbm4b:s15+s10], $0x200, $0x38;
	[tilespmem:$0x1A600] =	vst v63  }
0x161: {  	s15 =	rddreg [dreg:$0x1e]  }
0x162: {  	[tilespmem:s22], [sflag:$0x1] =	stream.linear.gather [hbm4b:s16+s10], $0x200, $0x38;
	[tilespmem:$0x1A600] =	vst v63  }
0x163: {  	s16 =	rddreg [dreg:$0x1f]  }
0x164: {  	[tilespmem:s31], [sflag:$0x1] =	stream.linear.gather [hbm4b:s15+s10], $0x200, $0x38;
	[tilespmem:$0x1A600] =	vst v63  }
0x165: {  	s15 =	sld [smem:$0x7E2]  }
0x166: {  	[tilespmem:s30], [sflag:$0x1] =	stream.linear.gather [hbm4b:s16+s10], $0x200, $0x38;
	[tilespmem:$0x1A600] =	vst v63  }
0x167: {  	s16 =	sld [smem:$0x7E3]  }
0x168: {  	[tilespmem:s29], [sflag:$0x1] =	stream.linear.gather [hbm4b:s15+s10], $0x200, $0x38;
	[tilespmem:$0x1A600] =	vst v63  }
0x169: {  	s15 =	sld [smem:$0x7E4]  }
0x16a: {  	[tilespmem:s25], [sflag:$0x1] =	stream.linear.gather [hbm4b:s16+s10], $0x200, $0x38;
	[tilespmem:$0x1A600] =	vst v63  }
0x16b: {  	s16 =	sld [smem:$0x7E5]  }
0x16c: {  	[tilespmem:s26], [sflag:$0x1] =	stream.linear.gather [hbm4b:s15+s10], $0x200, $0x38;
	[tilespmem:$0x1A600] =	vst v63  }
0x16d: {  	s15 =	sld [smem:$0x7E6]  }
0x16e: {  	[tilespmem:s18], [sflag:$0x1] =	stream.linear.gather [hbm4b:s16+s10], $0x200, $0x38;
	[tilespmem:$0x1A600] =	vst v63  }
0x16f: {  	s16 =	sld [smem:$0x7E7]  }
0x170: {  	[tilespmem:s24], [sflag:$0x1] =	stream.linear.gather [hbm4b:s15+s10], $0x200, $0x38;
	[tilespmem:$0x1A600] =	vst v63  }
0x171: {  	s15 =	sld [smem:$0x7E8]  }
0x172: {  	[tilespmem:s20], [sflag:$0x1] =	stream.linear.gather [hbm4b:s16+s10], $0x200, $0x38;
	[tilespmem:$0x1A600] =	vst v63  }
0x173: {  	s16 =	sld [smem:$0x7E9]  }
0x174: {  	[tilespmem:s21], [sflag:$0x1] =	stream.linear.gather [hbm4b:s15+s10], $0x200, $0x38;
	[tilespmem:$0x1A600] =	vst v63  }
0x175: {  	s15 =	sld [smem:$0x7EA]  }
0x176: {  	[tilespmem:s28], [sflag:$0x1] =	stream.linear.gather [hbm4b:s16+s10], $0x200, $0x38;
	[tilespmem:$0x1A600] =	vst v63  }
0x177: {  	s16 =	simm.s32 $0x2400  }
0x178: {  	[tilespmem:s16], [sflag:$0x1] =	stream.linear.gather [hbm4b:s15+s10], $0x200, $0x38;
	[tilespmem:$0x1A600] =	vst v63  }
0x179: {  	_ =	swait.ge [sflag:s1], $0x200  }
0x17a: {  	[sflag:s1] =	ssyncset.done $0x0  }
0x17b: {  	[sflag:s1] =	ssyncadd.s32 $0xFFFFFE00  }
0x17c: {  	_ =	swait.ge [sflag:s1], $0x200  }
0x17d: {  	[sflag:s1] =	ssyncset.done $0x0  }
0x17e: {  	[sflag:s1] =	ssyncadd.s32 $0xFFFFFE00  }
0x17f: {  	_ =	swait.ge [sflag:s1], $0x200  }
0x180: {  	[sflag:s1] =	ssyncset.done $0x0  }
0x181: {  	[sflag:s1] =	ssyncadd.s32 $0xFFFFFE00  }
0x182: {  	_ =	swait.ge [sflag:s1], $0x200  }
0x183: {  	[sflag:s1] =	ssyncset.done $0x0  }
0x184: {  	[sflag:s1] =	ssyncadd.s32 $0xFFFFFE00  }
0x185: {  	_ =	swait.ge [sflag:s1], $0x200  }
0x186: {  	[sflag:s1] =	ssyncset.done $0x0  }
0x187: {  	[sflag:s1] =	ssyncadd.s32 $0xFFFFFE00  }
0x188: {  	_ =	swait.ge [sflag:s1], $0x200  }
0x189: {  	[sflag:s1] =	ssyncset.done $0x0  }
0x18a: {  	[sflag:s1] =	ssyncadd.s32 $0xFFFFFE00  }
0x18b: {  	_ =	swait.ge [sflag:s1], $0x200  }
0x18c: {  	[sflag:s1] =	ssyncset.done $0x0  }
0x18d: {  	[sflag:s1] =	ssyncadd.s32 $0xFFFFFE00  }
0x18e: {  	_ =	swait.ge [sflag:s1], $0x200  }
0x18f: {  	[sflag:s1] =	ssyncset.done $0x0  }
0x190: {  	[sflag:s1] =	ssyncadd.s32 $0xFFFFFE00  }
0x191: {  	_ =	swait.ge [sflag:s1], $0x200  }
0x192: {  	[sflag:s1] =	ssyncset.done $0x0  }
0x193: {  	[sflag:s1] =	ssyncadd.s32 $0xFFFFFE00  }
0x194: {  	_ =	swait.ge [sflag:s1], $0x200  }
0x195: {  	[sflag:s1] =	ssyncset.done $0x0  }
0x196: {  	[sflag:s1] =	ssyncadd.s32 $0xFFFFFE00  }
0x197: {  	_ =	swait.ge [sflag:s1], $0x200  }
0x198: {  	[sflag:s1] =	ssyncset.done $0x0  }
0x199: {  	[sflag:s1] =	ssyncadd.s32 $0xFFFFFE00  }
0x19a: {  	_ =	swait.ge [sflag:s1], $0x200  }
0x19b: {  	[sflag:s1] =	ssyncset.done $0x0  }
0x19c: {  	[sflag:s1] =	ssyncadd.s32 $0xFFFFFE00  }
0x19d: {  	_ =	swait.ge [sflag:s1], $0x200  }
0x19e: {  	[sflag:s1] =	ssyncset.done $0x0  }
0x19f: {  	[sflag:s1] =	ssyncadd.s32 $0xFFFFFE00  }
0x1a0: {  	_ =	swait.ge [sflag:s1], $0x200  }
0x1a1: {  	[sflag:s1] =	ssyncset.done $0x0  }
0x1a2: {  	[sflag:s1] =	ssyncadd.s32 $0xFFFFFE00  }
0x1a3: {  	_ =	swait.ge [sflag:s1], $0x200  }
0x1a4: {  	[sflag:s1] =	ssyncset.done $0x0  }
0x1a5: {  	[sflag:s1] =	ssyncadd.s32 $0xFFFFFE00  }
0x1a6: {  	_ =	swait.ge [sflag:s1], $0x200  }
0x1a7: {  	[sflag:s1] =	ssyncset.done $0x0  }
0x1a8: {  	[sflag:s1] =	ssyncadd.s32 $0xFFFFFE00  }
0x1a9: {  	_ =	swait.ge [sflag:s1], $0x200  }
0x1aa: {  	[sflag:s1] =	ssyncset.done $0x0  }
0x1ab: {  	[sflag:s1] =	ssyncadd.s32 $0xFFFFFE00  }
0x1ac: {  	_ =	swait.ge [sflag:s1], $0x200  }
0x1ad: {  	[sflag:s1] =	ssyncset.done $0x0  }
0x1ae: {  	[sflag:s1] =	ssyncadd.s32 $0xFFFFFE00  }
0x1af: {  	_ =	swait.ge [sflag:s1], $0x200  }
0x1b0: {  	[sflag:s1] =	ssyncset.done $0x0  }
0x1b1: {  	s0 =	simm.s32 $0x2600;
	s15 =	rddreg [dreg:$0x3];
	[sflag:s1] =	ssyncadd.s32 $0xFFFFFE00  }
0x1b2: {  	[tilespmem:s0], [sflag:$0x2] =	stream.indirect.gather [hbm4b:s15+s6], $0x20, s10, s6, $0xb8;
	[tilespmem:$0x1A600] =	vst v63  }
0x1b3: {  	s3 =	simm.s32 $0x6600;
	s16 =	rddreg [dreg:$0x4]  }
0x1b4: {  	[tilespmem:s3], [sflag:$0x2] =	stream.indirect.gather [hbm4b:s16+s6], $0x20, s6, s6, $0xb8;
	[tilespmem:$0x1A600] =	vst v63  }
0x1b5: {  	s13 =	simm.s32 $0xA600;
	s15 =	rddreg [dreg:$0x5]  }
0x1b6: {  	[tilespmem:s13], [sflag:$0x2] =	stream.indirect.gather [hbm4b:s15+s6], $0x20, s8, s6, $0xb8;
	[tilespmem:$0x1A600] =	vst v63  }
0x1b7: {  	s12 =	simm.s32 $0xE600;
	s0 =	rddreg [dreg:$0x6]  }
0x1b8: {  	[tilespmem:s12], [sflag:$0x2] =	stream.indirect.gather [hbm4b:s0+s6], $0x20, s23, s6, $0xb8;
	[tilespmem:$0x1A600] =	vst v63  }
0x1b9: {  	s15 =	rddreg [dreg:$0x7]  }
0x1ba: {  	[tilespmem:s11], [sflag:$0x2] =	stream.indirect.gather [hbm4b:s15+s6], $0x20, s19, s6, $0xb8;
	[tilespmem:$0x1A600] =	vst v63  }
0x1bb: {  	s8 =	simm.s32 $0x16600;
	s0 =	rddreg [dreg:$0x8]  }
0x1bc: {  	[tilespmem:s8], [sflag:$0x2] =	stream.indirect.gather [hbm4b:s0+s6], $0x20, s9, s6, $0xb8;
	[tilespmem:$0x1A600] =	vst v63  }
0x1bd: {  	_ =	swait.ge [sflag:s4], $0x4000  }
0x1be: {  	s16 =	sld [smem:$0x7FC]  }
0x1bf: {  	[sflag:s4] =	ssyncset.done $0x0  }
0x1c0: {  	s3 =	simm.s32 $0x2600;
	[sflag:s4] =	ssyncadd.s32 $0xFFFFC000  }
0x1c1: {  	[hbm4b:s16+s5] =	stream.strided.scatter [tilespmem:s3], [sflag:$0x3], $0x4000, s7, s5, $0x38;
	[tilespmem:$0x1A600] =	vst v63  }
0x1c2: {  	_ =	swait.ge [sflag:s2], $0x4000  }
0x1c3: {  	[sflag:s2] =	ssyncset.done $0x0  }
0x1c4: {  	s0 =	rddreg [dreg:$0x9];
	[sflag:s2] =	ssyncadd.s32 $0xFFFFC000  }
0x1c5: {  	[tilespmem:s3], [sflag:$0x2] =	stream.indirect.gather [hbm4b:s0+s6], $0x20, s17, s6, $0xb8;
	[tilespmem:$0x1A600] =	vst v63  }
0x1c6: {  	_ =	swait.ge [sflag:s4], $0x4000  }
0x1c7: {  	s16 =	sld [smem:$0x7EB]  }
0x1c8: {  	[sflag:s4] =	ssyncset.done $0x0  }
0x1c9: {  	s13 =	simm.s32 $0x6600;
	[sflag:s4] =	ssyncadd.s32 $0xFFFFC000  }
0x1ca: {  	[hbm4b:s16+s5] =	stream.strided.scatter [tilespmem:s13], [sflag:$0x3], $0x4000, s7, s5, $0x38;
	[tilespmem:$0x1A600] =	vst v63  }
0x1cb: {  	_ =	swait.ge [sflag:s2], $0x4000  }
0x1cc: {  	[sflag:s2] =	ssyncset.done $0x0  }
0x1cd: {  	s0 =	rddreg [dreg:$0xa];
	[sflag:s2] =	ssyncadd.s32 $0xFFFFC000  }
0x1ce: {  	[tilespmem:s13], [sflag:$0x2] =	stream.indirect.gather [hbm4b:s0+s6], $0x20, s22, s6, $0xb8;
	[tilespmem:$0x1A600] =	vst v63  }
0x1cf: {  	_ =	swait.ge [sflag:s4], $0x4000  }
0x1d0: {  	s16 =	sld [smem:$0x7EC]  }
0x1d1: {  	[sflag:s4] =	ssyncset.done $0x0  }
0x1d2: {  	s12 =	simm.s32 $0xA600;
	[sflag:s4] =	ssyncadd.s32 $0xFFFFC000  }
0x1d3: {  	[hbm4b:s16+s5] =	stream.strided.scatter [tilespmem:s12], [sflag:$0x3], $0x4000, s7, s5, $0x38;
	[tilespmem:$0x1A600] =	vst v63  }
0x1d4: {  	_ =	swait.ge [sflag:s2], $0x4000  }
0x1d5: {  	[sflag:s2] =	ssyncset.done $0x0  }
0x1d6: {  	s0 =	rddreg [dreg:$0xb];
	[sflag:s2] =	ssyncadd.s32 $0xFFFFC000  }
0x1d7: {  	[tilespmem:s12], [sflag:$0x2] =	stream.indirect.gather [hbm4b:s0+s6], $0x20, s31, s6, $0xb8;
	[tilespmem:$0x1A600] =	vst v63  }
0x1d8: {  	_ =	swait.ge [sflag:s4], $0x4000  }
0x1d9: {  	s16 =	sld [smem:$0x7ED]  }
0x1da: {  	[sflag:s4] =	ssyncset.done $0x0  }
0x1db: {  	s23 =	simm.s32 $0xE600;
	[sflag:s4] =	ssyncadd.s32 $0xFFFFC000  }
0x1dc: {  	[hbm4b:s16+s5] =	stream.strided.scatter [tilespmem:s23], [sflag:$0x3], $0x4000, s7, s5, $0x38;
	[tilespmem:$0x1A600] =	vst v63  }
0x1dd: {  	_ =	swait.ge [sflag:s2], $0x4000  }
0x1de: {  	[sflag:s2] =	ssyncset.done $0x0  }
0x1df: {  	s0 =	rddreg [dreg:$0xc];
	[sflag:s2] =	ssyncadd.s32 $0xFFFFC000  }
0x1e0: {  	[tilespmem:s23], [sflag:$0x2] =	stream.indirect.gather [hbm4b:s0+s6], $0x20, s30, s6, $0xb8;
	[tilespmem:$0x1A600] =	vst v63  }
0x1e1: {  	_ =	swait.ge [sflag:s4], $0x4000  }
0x1e2: {  	s16 =	sld [smem:$0x7EE]  }
0x1e3: {  	[sflag:s4] =	ssyncset.done $0x0  }
0x1e4: {  	s19 =	simm.s32 $0x12600;
	[sflag:s4] =	ssyncadd.s32 $0xFFFFC000  }
0x1e5: {  	[hbm4b:s16+s5] =	stream.strided.scatter [tilespmem:s19], [sflag:$0x3], $0x4000, s7, s5, $0x38;
	[tilespmem:$0x1A600] =	vst v63  }
0x1e6: {  	_ =	swait.ge [sflag:s2], $0x4000  }
0x1e7: {  	[sflag:s2] =	ssyncset.done $0x0  }
0x1e8: {  	s0 =	rddreg [dreg:$0xd];
	[sflag:s2] =	ssyncadd.s32 $0xFFFFC000  }
0x1e9: {  	[tilespmem:s19], [sflag:$0x2] =	stream.indirect.gather [hbm4b:s0+s6], $0x20, s29, s6, $0xb8;
	[tilespmem:$0x1A600] =	vst v63  }
0x1ea: {  	_ =	swait.ge [sflag:s4], $0x4000  }
0x1eb: {  	s16 =	sld [smem:$0x7EF]  }
0x1ec: {  	[sflag:s4] =	ssyncset.done $0x0  }
0x1ed: {  	[sflag:s4] =	ssyncadd.s32 $0xFFFFC000  }
0x1ee: {  	[hbm4b:s16+s5] =	stream.strided.scatter [tilespmem:s8], [sflag:$0x3], $0x4000, s7, s5, $0x38;
	[tilespmem:$0x1A600] =	vst v63  }
0x1ef: {  	_ =	swait.ge [sflag:s2], $0x4000  }
0x1f0: {  	[sflag:s2] =	ssyncset.done $0x0  }
0x1f1: {  	s0 =	rddreg [dreg:$0xe];
	[sflag:s2] =	ssyncadd.s32 $0xFFFFC000  }
0x1f2: {  	[tilespmem:s8], [sflag:$0x2] =	stream.indirect.gather [hbm4b:s0+s6], $0x20, s25, s6, $0xb8;
	[tilespmem:$0x1A600] =	vst v63  }
0x1f3: {  	_ =	swait.ge [sflag:s4], $0x4000  }
0x1f4: {  	s16 =	sld [smem:$0x7F0]  }
0x1f5: {  	[sflag:s4] =	ssyncset.done $0x0  }
0x1f6: {  	[sflag:s4] =	ssyncadd.s32 $0xFFFFC000  }
0x1f7: {  	[hbm4b:s16+s5] =	stream.strided.scatter [tilespmem:s3], [sflag:$0x3], $0x4000, s7, s5, $0x38;
	[tilespmem:$0x1A600] =	vst v63  }
0x1f8: {  	_ =	swait.ge [sflag:s2], $0x4000  }
0x1f9: {  	[sflag:s2] =	ssyncset.done $0x0  }
0x1fa: {  	s0 =	rddreg [dreg:$0xf];
	[sflag:s2] =	ssyncadd.s32 $0xFFFFC000  }
0x1fb: {  	[tilespmem:s3], [sflag:$0x2] =	stream.indirect.gather [hbm4b:s0+s6], $0x20, s26, s6, $0xb8;
	[tilespmem:$0x1A600] =	vst v63  }
0x1fc: {  	_ =	swait.ge [sflag:s4], $0x4000  }
0x1fd: {  	s16 =	sld [smem:$0x7F1]  }
0x1fe: {  	[sflag:s4] =	ssyncset.done $0x0  }
0x1ff: {  	[sflag:s4] =	ssyncadd.s32 $0xFFFFC000  }
0x200: {  	[hbm4b:s16+s5] =	stream.strided.scatter [tilespmem:s13], [sflag:$0x3], $0x4000, s7, s5, $0x38;
	[tilespmem:$0x1A600] =	vst v63  }
0x201: {  	_ =	swait.ge [sflag:s2], $0x4000  }
0x202: {  	[sflag:s2] =	ssyncset.done $0x0  }
0x203: {  	s0 =	rddreg [dreg:$0x10];
	[sflag:s2] =	ssyncadd.s32 $0xFFFFC000  }
0x204: {  	[tilespmem:s13], [sflag:$0x2] =	stream.indirect.gather [hbm4b:s0+s6], $0x20, s18, s6, $0xb8;
	[tilespmem:$0x1A600] =	vst v63  }
0x205: {  	_ =	swait.ge [sflag:s4], $0x4000  }
0x206: {  	s16 =	sld [smem:$0x7F2]  }
0x207: {  	[sflag:s4] =	ssyncset.done $0x0  }
0x208: {  	[sflag:s4] =	ssyncadd.s32 $0xFFFFC000  }
0x209: {  	[hbm4b:s16+s5] =	stream.strided.scatter [tilespmem:s12], [sflag:$0x3], $0x4000, s7, s5, $0x38;
	[tilespmem:$0x1A600] =	vst v63  }
0x20a: {  	_ =	swait.ge [sflag:s2], $0x4000  }
0x20b: {  	[sflag:s2] =	ssyncset.done $0x0  }
0x20c: {  	s0 =	rddreg [dreg:$0x11];
	[sflag:s2] =	ssyncadd.s32 $0xFFFFC000  }
0x20d: {  	[tilespmem:s12], [sflag:$0x2] =	stream.indirect.gather [hbm4b:s0+s6], $0x20, s24, s6, $0xb8;
	[tilespmem:$0x1A600] =	vst v63  }
0x20e: {  	_ =	swait.ge [sflag:s4], $0x4000  }
0x20f: {  	s16 =	sld [smem:$0x7F3]  }
0x210: {  	[sflag:s4] =	ssyncset.done $0x0  }
0x211: {  	[sflag:s4] =	ssyncadd.s32 $0xFFFFC000  }
0x212: {  	[hbm4b:s16+s5] =	stream.strided.scatter [tilespmem:s23], [sflag:$0x3], $0x4000, s7, s5, $0x38;
	[tilespmem:$0x1A600] =	vst v63  }
0x213: {  	_ =	swait.ge [sflag:s2], $0x4000  }
0x214: {  	[sflag:s2] =	ssyncset.done $0x0  }
0x215: {  	s0 =	rddreg [dreg:$0x12];
	[sflag:s2] =	ssyncadd.s32 $0xFFFFC000  }
0x216: {  	[tilespmem:s23], [sflag:$0x2] =	stream.indirect.gather [hbm4b:s0+s6], $0x20, s20, s6, $0xb8;
	[tilespmem:$0x1A600] =	vst v63  }
0x217: {  	_ =	swait.ge [sflag:s4], $0x4000  }
0x218: {  	s16 =	sld [smem:$0x7F4]  }
0x219: {  	[sflag:s4] =	ssyncset.done $0x0  }
0x21a: {  	[sflag:s4] =	ssyncadd.s32 $0xFFFFC000  }
0x21b: {  	[hbm4b:s16+s5] =	stream.strided.scatter [tilespmem:s19], [sflag:$0x3], $0x4000, s7, s5, $0x38;
	[tilespmem:$0x1A600] =	vst v63  }
0x21c: {  	_ =	swait.ge [sflag:s2], $0x4000  }
0x21d: {  	[sflag:s2] =	ssyncset.done $0x0  }
0x21e: {  	s0 =	rddreg [dreg:$0x13];
	[sflag:s2] =	ssyncadd.s32 $0xFFFFC000  }
0x21f: {  	[tilespmem:s19], [sflag:$0x2] =	stream.indirect.gather [hbm4b:s0+s6], $0x20, s21, s6, $0xb8;
	[tilespmem:$0x1A600] =	vst v63  }
0x220: {  	_ =	swait.ge [sflag:s4], $0x4000  }
0x221: {  	s16 =	sld [smem:$0x7F5]  }
0x222: {  	[sflag:s4] =	ssyncset.done $0x0  }
0x223: {  	[sflag:s4] =	ssyncadd.s32 $0xFFFFC000  }
0x224: {  	[hbm4b:s16+s5] =	stream.strided.scatter [tilespmem:s8], [sflag:$0x3], $0x4000, s7, s5, $0x38;
	[tilespmem:$0x1A600] =	vst v63  }
0x225: {  	_ =	swait.ge [sflag:s2], $0x4000  }
0x226: {  	[sflag:s2] =	ssyncset.done $0x0  }
0x227: {  	s0 =	rddreg [dreg:$0x14];
	[sflag:s2] =	ssyncadd.s32 $0xFFFFC000  }
0x228: {  	[tilespmem:s8], [sflag:$0x2] =	stream.indirect.gather [hbm4b:s0+s6], $0x20, s28, s6, $0xb8;
	[tilespmem:$0x1A600] =	vst v63  }
0x229: {  	_ =	swait.ge [sflag:s4], $0x4000  }
0x22a: {  	s16 =	sld [smem:$0x7F6]  }
0x22b: {  	[sflag:s4] =	ssyncset.done $0x0  }
0x22c: {  	[sflag:s4] =	ssyncadd.s32 $0xFFFFC000  }
0x22d: {  	[hbm4b:s16+s5] =	stream.strided.scatter [tilespmem:s3], [sflag:$0x3], $0x4000, s7, s5, $0x38;
	[tilespmem:$0x1A600] =	vst v63  }
0x22e: {  	_ =	swait.ge [sflag:s2], $0x4000  }
0x22f: {  	[sflag:s2] =	ssyncset.done $0x0  }
0x230: {  	s16 =	simm.s32 $0x2400;
	s0 =	rddreg [dreg:$0x15];
	[sflag:s2] =	ssyncadd.s32 $0xFFFFC000  }
0x231: {  	[tilespmem:s3], [sflag:$0x2] =	stream.indirect.gather [hbm4b:s0+s6], $0x20, s16, s6, $0xb8;
	[tilespmem:$0x1A600] =	vst v63  }
0x232: {  	_ =	swait.ge [sflag:s4], $0x4000  }
0x233: {  	s0 =	sld [smem:$0x7F7]  }
0x234: {  	[sflag:s4] =	ssyncset.done $0x0  }
0x235: {  	[sflag:s4] =	ssyncadd.s32 $0xFFFFC000  }
0x236: {  	[hbm4b:s0+s5] =	stream.strided.scatter [tilespmem:s13], [sflag:$0x3], $0x4000, s7, s5, $0x38;
	[tilespmem:$0x1A600] =	vst v63  }
0x237: {  	_ =	swait.ge [sflag:s4], $0x4000  }
0x238: {  	s16 =	sld [smem:$0x7F8]  }
0x239: {  	[sflag:s4] =	ssyncset.done $0x0  }
0x23a: {  	[sflag:s4] =	ssyncadd.s32 $0xFFFFC000  }
0x23b: {  	[hbm4b:s16+s5] =	stream.strided.scatter [tilespmem:s12], [sflag:$0x3], $0x4000, s7, s5, $0x38;
	[tilespmem:$0x1A600] =	vst v63  }
0x23c: {  	_ =	swait.ge [sflag:s4], $0x4000  }
0x23d: {  	s0 =	sld [smem:$0x7F9]  }
0x23e: {  	[sflag:s4] =	ssyncset.done $0x0  }
0x23f: {  	[sflag:s4] =	ssyncadd.s32 $0xFFFFC000  }
0x240: {  	[hbm4b:s0+s5] =	stream.strided.scatter [tilespmem:s23], [sflag:$0x3], $0x4000, s7, s5, $0x38;
	[tilespmem:$0x1A600] =	vst v63  }
0x241: {  	_ =	swait.ge [sflag:s4], $0x4000  }
0x242: {  	s16 =	sld [smem:$0x7FA]  }
0x243: {  	[sflag:s4] =	ssyncset.done $0x0  }
0x244: {  	[sflag:s4] =	ssyncadd.s32 $0xFFFFC000  }
0x245: {  	[hbm4b:s16+s5] =	stream.strided.scatter [tilespmem:s19], [sflag:$0x3], $0x4000, s7, s5, $0x38;
	[tilespmem:$0x1A600] =	vst v63  }
0x246: {  	_ =	swait.ge [sflag:s4], $0x4000  }
0x247: {  	s19 =	sld [smem:$0x7FB]  }
0x248: {  	[sflag:s4] =	ssyncset.done $0x0  }
0x249: {  	[sflag:s4] =	ssyncadd.s32 $0xFFFFC000  }
0x24a: {  	[hbm4b:s19+s5] =	stream.strided.scatter [tilespmem:s8], [sflag:$0x3], $0x4000, s7, s5, $0x38;
	[tilespmem:$0x1A600] =	vst v63  }
0x24b: {  	_ =	swait.ge [sflag:s4], $0x4000  }
0x24c: {  	s23 =	sld [smem:$0x7FD]  }
0x24d: {  	[sflag:s4] =	ssyncset.done $0x0  }
0x24e: {  	[sflag:s4] =	ssyncadd.s32 $0xFFFFC000  }
0x24f: {  	[hbm4b:s23+s5] =	stream.strided.scatter [tilespmem:s3], [sflag:$0x3], $0x4000, s7, s5, $0x38;
	[tilespmem:$0x1A600] =	vst v63  }
0x250: {  	_ =	swait.ge [sflag:s2], $0x4000  }
0x251: {  	[sflag:s2] =	ssyncset.done $0x0  }
0x252: {  	[sflag:s2] =	ssyncadd.s32 $0xFFFFC000  }
0x253: {  	_ =	swait.ge [sflag:s2], $0x4000  }
0x254: {  	[sflag:s2] =	ssyncset.done $0x0  }
0x255: {  	[sflag:s2] =	ssyncadd.s32 $0xFFFFC000  }
0x256: {  	_ =	swait.ge [sflag:s2], $0x4000  }
0x257: {  	[sflag:s2] =	ssyncset.done $0x0  }
0x258: {  	[sflag:s2] =	ssyncadd.s32 $0xFFFFC000  }
0x259: {  	_ =	swait.ge [sflag:s2], $0x4000  }
0x25a: {  	[sflag:s2] =	ssyncset.done $0x0  }
0x25b: {  	p1 =	sne.s32 s14, $0x1;
	[sflag:s2] =	ssyncadd.s32 $0xFFFFC000  }
.Ltmp2:
0x25c: {  	_ =	swait.ge [sflag:s2], $0x4000;
	(pc) =	sbr.rel @p1 .LBB2_4-.Ltmp2, $4  }
0x25d: {  	[sflag:s2] =	ssyncset.done $0x0  }
0x25e: {  	[sflag:s2] =	ssyncadd.s32 $0xFFFFC000  }
0x25f: {  	_ =	swait.ge [sflag:s2], $0x4000  }
0x260: {  	s14 =	sadd.s32 $0xFFFFFFFF, s14;
	s15 =	rddreg [dreg:$0x16];
	[sflag:s2] =	ssyncset.done $0x0  }
0x261: {  	s25 =	sld [smem:$0x7FC]  }
0x262: {  	s11 =	rddreg [dreg:$0x2];
	s20 =	simm.s32 $0x600;
	s22 =	simm.s32 $0x400  }
.LBB2_6:
0x263: {  	[sflag:s2] =	ssyncadd.s32 @p0 $0xFFFFC000;
	s14 =	rddreg [dreg:$0x17]  }
0x264: {  	[tilespmem:s10], [sflag:$0x1] =	stream.linear.gather [hbm4b:s15+s10], $0x200, $0x38;
	[tilespmem:$0x1A600] =	vst v63  }
0x265: {  	s28 =	rddreg [dreg:$0x18]  }
0x266: {  	[tilespmem:s6], [sflag:$0x1] =	stream.linear.gather [hbm4b:s14+s10], $0x200, $0x38;
	[tilespmem:$0x1A600] =	vst v63  }
0x267: {  	s29 =	rddreg [dreg:$0x19]  }
0x268: {  	[tilespmem:s22], [sflag:$0x1] =	stream.linear.gather [hbm4b:s28+s10], $0x200, $0x38;
	[tilespmem:$0x1A600] =	vst v63  }
0x269: {  	s30 =	rddreg [dreg:$0x1a]  }
0x26a: {  	[tilespmem:s20], [sflag:$0x1] =	stream.linear.gather [hbm4b:s29+s10], $0x200, $0x38;
	[tilespmem:$0x1A600] =	vst v63  }
0x26b: {  	s31 =	rddreg [dreg:$0x1b];
	s17 =	simm.s32 $0x800  }
0x26c: {  	[tilespmem:s17], [sflag:$0x1] =	stream.linear.gather [hbm4b:s30+s10], $0x200, $0x38;
	[tilespmem:$0x1A600] =	vst v63  }
0x26d: {  	s0 =	rddreg [dreg:$0x1c];
	s16 =	simm.s32 $0xA00  }
0x26e: {  	[tilespmem:s16], [sflag:$0x1] =	stream.linear.gather [hbm4b:s31+s10], $0x200, $0x38;
	[tilespmem:$0x1A600] =	vst v63  }
0x26f: {  	s9 =	rddreg [dreg:$0x1d];
	s31 =	simm.s32 $0xC00  }
0x270: {  	[tilespmem:s31], [sflag:$0x1] =	stream.linear.gather [hbm4b:s0+s10], $0x200, $0x38;
	[tilespmem:$0x1A600] =	vst v63  }
0x271: {  	s18 =	rddreg [dreg:$0x1e];
	s30 =	simm.s32 $0xE00  }
0x272: {  	[tilespmem:s30], [sflag:$0x1] =	stream.linear.gather [hbm4b:s9+s10], $0x200, $0x38;
	[tilespmem:$0x1A600] =	vst v63  }
0x273: {  	s19 =	rddreg [dreg:$0x1f];
	s29 =	simm.s32 $0x1000  }
0x274: {  	[tilespmem:s29], [sflag:$0x1] =	stream.linear.gather [hbm4b:s18+s10], $0x200, $0x38;
	[tilespmem:$0x1A600] =	vst v63  }
0x275: {  	s28 =	simm.s32 $0x1200;
	s20 =	sld [smem:$0x7E2]  }
0x276: {  	[tilespmem:s28], [sflag:$0x1] =	stream.linear.gather [hbm4b:s19+s10], $0x200, $0x38;
	[tilespmem:$0x1A600] =	vst v63  }
0x277: {  	s21 =	sld [smem:$0x7E3];
	s26 =	simm.s32 $0x1400  }
0x278: {  	[tilespmem:s26], [sflag:$0x1] =	stream.linear.gather [hbm4b:s20+s10], $0x200, $0x38;
	[tilespmem:$0x1A600] =	vst v63  }
0x279: {  	s23 =	sld [smem:$0x7E4];
	s22 =	simm.s32 $0x1600  }
0x27a: {  	[tilespmem:s22], [sflag:$0x1] =	stream.linear.gather [hbm4b:s21+s10], $0x200, $0x38;
	[tilespmem:$0x1A600] =	vst v63  }
0x27b: {  	s24 =	simm.s32 $0x1800;
	s9 =	sld [smem:$0x7E5]  }
0x27c: {  	[tilespmem:s24], [sflag:$0x1] =	stream.linear.gather [hbm4b:s23+s10], $0x200, $0x38;
	[tilespmem:$0x1A600] =	vst v63  }
0x27d: {  	s18 =	sld [smem:$0x7E6];
	s23 =	simm.s32 $0x1A00  }
0x27e: {  	[tilespmem:s23], [sflag:$0x1] =	stream.linear.gather [hbm4b:s9+s10], $0x200, $0x38;
	[tilespmem:$0x1A600] =	vst v63  }
0x27f: {  	s19 =	sld [smem:$0x7E7];
	s21 =	simm.s32 $0x1C00  }
0x280: {  	[tilespmem:s21], [sflag:$0x1] =	stream.linear.gather [hbm4b:s18+s10], $0x200, $0x38;
	[tilespmem:$0x1A600] =	vst v63  }
0x281: {  	s20 =	simm.s32 $0x1E00;
	s9 =	sld [smem:$0x7E8]  }
0x282: {  	[tilespmem:s20], [sflag:$0x1] =	stream.linear.gather [hbm4b:s19+s10], $0x200, $0x38;
	[tilespmem:$0x1A600] =	vst v63  }
0x283: {  	s14 =	sld [smem:$0x7E9];
	s19 =	simm.s32 $0x2000  }
0x284: {  	[tilespmem:s19], [sflag:$0x1] =	stream.linear.gather [hbm4b:s9+s10], $0x200, $0x38;
	[tilespmem:$0x1A600] =	vst v63  }
0x285: {  	s15 =	sld [smem:$0x7EA];
	s9 =	simm.s32 $0x2200  }
0x286: {  	[tilespmem:s9], [sflag:$0x1] =	stream.linear.gather [hbm4b:s14+s10], $0x200, $0x38;
	[tilespmem:$0x1A600] =	vst v63  }
0x287: {  	s14 =	simm.s32 $0x2400  }
0x288: {  	[tilespmem:s14], [sflag:$0x1] =	stream.linear.gather [hbm4b:s15+s10], $0x200, $0x38;
	[tilespmem:$0x1A600] =	vst v63  }
0x289: {  	_ =	swait.ge [sflag:s1], $0x200  }
0x28a: {  	[sflag:s1] =	ssyncset.done $0x0  }
0x28b: {  	[sflag:s1] =	ssyncadd.s32 $0xFFFFFE00  }
0x28c: {  	_ =	swait.ge [sflag:s1], $0x200  }
0x28d: {  	[sflag:s1] =	ssyncset.done $0x0  }
0x28e: {  	[sflag:s1] =	ssyncadd.s32 $0xFFFFFE00  }
0x28f: {  	_ =	swait.ge [sflag:s1], $0x200  }
0x290: {  	[sflag:s1] =	ssyncset.done $0x0  }
0x291: {  	[sflag:s1] =	ssyncadd.s32 $0xFFFFFE00  }
0x292: {  	_ =	swait.ge [sflag:s1], $0x200  }
0x293: {  	[sflag:s1] =	ssyncset.done $0x0  }
0x294: {  	[sflag:s1] =	ssyncadd.s32 $0xFFFFFE00  }
0x295: {  	_ =	swait.ge [sflag:s1], $0x200  }
0x296: {  	[sflag:s1] =	ssyncset.done $0x0  }
0x297: {  	[sflag:s1] =	ssyncadd.s32 $0xFFFFFE00  }
0x298: {  	_ =	swait.ge [sflag:s1], $0x200  }
0x299: {  	[sflag:s1] =	ssyncset.done $0x0  }
0x29a: {  	[sflag:s1] =	ssyncadd.s32 $0xFFFFFE00  }
0x29b: {  	_ =	swait.ge [sflag:s1], $0x200  }
0x29c: {  	[sflag:s1] =	ssyncset.done $0x0  }
0x29d: {  	[sflag:s1] =	ssyncadd.s32 $0xFFFFFE00  }
0x29e: {  	_ =	swait.ge [sflag:s1], $0x200  }
0x29f: {  	[sflag:s1] =	ssyncset.done $0x0  }
0x2a0: {  	[sflag:s1] =	ssyncadd.s32 $0xFFFFFE00  }
0x2a1: {  	_ =	swait.ge [sflag:s1], $0x200  }
0x2a2: {  	[sflag:s1] =	ssyncset.done $0x0  }
0x2a3: {  	[sflag:s1] =	ssyncadd.s32 $0xFFFFFE00  }
0x2a4: {  	_ =	swait.ge [sflag:s1], $0x200  }
0x2a5: {  	[sflag:s1] =	ssyncset.done $0x0  }
0x2a6: {  	[sflag:s1] =	ssyncadd.s32 $0xFFFFFE00  }
0x2a7: {  	_ =	swait.ge [sflag:s1], $0x200  }
0x2a8: {  	[sflag:s1] =	ssyncset.done $0x0  }
0x2a9: {  	[sflag:s1] =	ssyncadd.s32 $0xFFFFFE00  }
0x2aa: {  	_ =	swait.ge [sflag:s1], $0x200  }
0x2ab: {  	[sflag:s1] =	ssyncset.done $0x0  }
0x2ac: {  	[sflag:s1] =	ssyncadd.s32 $0xFFFFFE00  }
0x2ad: {  	_ =	swait.ge [sflag:s1], $0x200  }
0x2ae: {  	[sflag:s1] =	ssyncset.done $0x0  }
0x2af: {  	[sflag:s1] =	ssyncadd.s32 $0xFFFFFE00  }
0x2b0: {  	_ =	swait.ge [sflag:s1], $0x200  }
0x2b1: {  	[sflag:s1] =	ssyncset.done $0x0  }
0x2b2: {  	[sflag:s1] =	ssyncadd.s32 $0xFFFFFE00  }
0x2b3: {  	_ =	swait.ge [sflag:s1], $0x200  }
0x2b4: {  	[sflag:s1] =	ssyncset.done $0x0  }
0x2b5: {  	[sflag:s1] =	ssyncadd.s32 $0xFFFFFE00  }
0x2b6: {  	_ =	swait.ge [sflag:s1], $0x200  }
0x2b7: {  	[sflag:s1] =	ssyncset.done $0x0  }
0x2b8: {  	[sflag:s1] =	ssyncadd.s32 $0xFFFFFE00  }
0x2b9: {  	_ =	swait.ge [sflag:s1], $0x200  }
0x2ba: {  	[sflag:s1] =	ssyncset.done $0x0  }
0x2bb: {  	[sflag:s1] =	ssyncadd.s32 $0xFFFFFE00  }
0x2bc: {  	_ =	swait.ge [sflag:s1], $0x200  }
0x2bd: {  	[sflag:s1] =	ssyncset.done $0x0  }
0x2be: {  	[sflag:s1] =	ssyncadd.s32 $0xFFFFFE00  }
0x2bf: {  	_ =	swait.ge [sflag:s1], $0x200  }
0x2c0: {  	[sflag:s1] =	ssyncset.done $0x0  }
0x2c1: {  	s14 =	rddreg [dreg:$0x3];
	[sflag:s1] =	ssyncadd.s32 $0xFFFFFE00  }
0x2c2: {  	[tilespmem:s3], [sflag:$0x2] =	stream.indirect.gather [hbm4b:s14+s6], $0x20, s10, s6, $0xb8;
	[tilespmem:$0x1A600] =	vst v63  }
0x2c3: {  	s9 =	rddreg [dreg:$0x4]  }
0x2c4: {  	[tilespmem:s13], [sflag:$0x2] =	stream.indirect.gather [hbm4b:s9+s6], $0x20, s6, s6, $0xb8;
	[tilespmem:$0x1A600] =	vst v63  }
0x2c5: {  	s0 =	simm.s32 $0x400;
	s14 =	rddreg [dreg:$0x5]  }
0x2c6: {  	[tilespmem:s12], [sflag:$0x2] =	stream.indirect.gather [hbm4b:s14+s6], $0x20, s0, s6, $0xb8;
	[tilespmem:$0x1A600] =	vst v63  }
0x2c7: {  	s18 =	simm.s32 $0x600;
	s10 =	simm.s32 $0xE600;
	s9 =	rddreg [dreg:$0x6]  }
0x2c8: {  	[tilespmem:s10], [sflag:$0x2] =	stream.indirect.gather [hbm4b:s9+s6], $0x20, s18, s6, $0xb8;
	[tilespmem:$0x1A600] =	vst v63  }
0x2c9: {  	s0 =	rddreg [dreg:$0x7];
	s9 =	simm.s32 $0x12600  }
0x2ca: {  	[tilespmem:s9], [sflag:$0x2] =	stream.indirect.gather [hbm4b:s0+s6], $0x20, s17, s6, $0xb8;
	[tilespmem:$0x1A600] =	vst v63  }
0x2cb: {  	s14 =	rddreg [dreg:$0x8]  }
0x2cc: {  	[tilespmem:s8], [sflag:$0x2] =	stream.indirect.gather [hbm4b:s14+s6], $0x20, s16, s6, $0xb8;
	[tilespmem:$0x1A600] =	vst v63  }
0x2cd: {  	_ =	swait.ge [sflag:s4], $0x4000  }
0x2ce: {  	[sflag:s4] =	ssyncset.done $0x0  }
0x2cf: {  	[sflag:s4] =	ssyncadd.s32 $0xFFFFC000  }
0x2d0: {  	[hbm4b:s25+s5] =	stream.strided.scatter [tilespmem:s3], [sflag:$0x3], $0x4000, s7, s5, $0x38;
	[tilespmem:$0x1A600] =	vst v63  }
0x2d1: {  	_ =	swait.ge [sflag:s2], $0x4000  }
0x2d2: {  	[sflag:s2] =	ssyncset.done $0x0  }
0x2d3: {  	s17 =	rddreg [dreg:$0x9];
	[sflag:s2] =	ssyncadd.s32 $0xFFFFC000  }
0x2d4: {  	[tilespmem:s3], [sflag:$0x2] =	stream.indirect.gather [hbm4b:s17+s6], $0x20, s31, s6, $0xb8;
	[tilespmem:$0x1A600] =	vst v63  }
0x2d5: {  	_ =	swait.ge [sflag:s4], $0x4000  }
0x2d6: {  	s18 =	sld [smem:$0x7EB]  }
0x2d7: {  	[sflag:s4] =	ssyncset.done $0x0  }
0x2d8: {  	[sflag:s4] =	ssyncadd.s32 $0xFFFFC000  }
0x2d9: {  	[hbm4b:s18+s5] =	stream.strided.scatter [tilespmem:s13], [sflag:$0x3], $0x4000, s7, s5, $0x38;
	[tilespmem:$0x1A600] =	vst v63  }
0x2da: {  	_ =	swait.ge [sflag:s2], $0x4000  }
0x2db: {  	[sflag:s2] =	ssyncset.done $0x0  }
0x2dc: {  	s25 =	rddreg [dreg:$0xa];
	[sflag:s2] =	ssyncadd.s32 $0xFFFFC000  }
0x2dd: {  	[tilespmem:s13], [sflag:$0x2] =	stream.indirect.gather [hbm4b:s25+s6], $0x20, s30, s6, $0xb8;
	[tilespmem:$0x1A600] =	vst v63  }
0x2de: {  	_ =	swait.ge [sflag:s4], $0x4000  }
0x2df: {  	s30 =	sld [smem:$0x7EC]  }
0x2e0: {  	[sflag:s4] =	ssyncset.done $0x0  }
0x2e1: {  	[sflag:s4] =	ssyncadd.s32 $0xFFFFC000  }
0x2e2: {  	[hbm4b:s30+s5] =	stream.strided.scatter [tilespmem:s12], [sflag:$0x3], $0x4000, s7, s5, $0x38;
	[tilespmem:$0x1A600] =	vst v63  }
0x2e3: {  	_ =	swait.ge [sflag:s2], $0x4000  }
0x2e4: {  	[sflag:s2] =	ssyncset.done $0x0  }
0x2e5: {  	s31 =	rddreg [dreg:$0xb];
	[sflag:s2] =	ssyncadd.s32 $0xFFFFC000  }
0x2e6: {  	[tilespmem:s12], [sflag:$0x2] =	stream.indirect.gather [hbm4b:s31+s6], $0x20, s29, s6, $0xb8;
	[tilespmem:$0x1A600] =	vst v63  }
0x2e7: {  	_ =	swait.ge [sflag:s4], $0x4000  }
0x2e8: {  	s1 =	sld [smem:$0x7ED]  }
0x2e9: {  	[sflag:s4] =	ssyncset.done $0x0  }
0x2ea: {  	[sflag:s4] =	ssyncadd.s32 $0xFFFFC000  }
0x2eb: {  	[hbm4b:s1+s5] =	stream.strided.scatter [tilespmem:s10], [sflag:$0x3], $0x4000, s7, s5, $0x38;
	[tilespmem:$0x1A600] =	vst v63  }
0x2ec: {  	_ =	swait.ge [sflag:s2], $0x4000  }
0x2ed: {  	[sflag:s2] =	ssyncset.done $0x0  }
0x2ee: {  	s14 =	rddreg [dreg:$0xc];
	[sflag:s2] =	ssyncadd.s32 $0xFFFFC000  }
0x2ef: {  	[tilespmem:s10], [sflag:$0x2] =	stream.indirect.gather [hbm4b:s14+s6], $0x20, s28, s6, $0xb8;
	[tilespmem:$0x1A600] =	vst v63  }
0x2f0: {  	_ =	swait.ge [sflag:s4], $0x4000  }
0x2f1: {  	s16 =	sld [smem:$0x7EE]  }
0x2f2: {  	[sflag:s4] =	ssyncset.done $0x0  }
0x2f3: {  	[sflag:s4] =	ssyncadd.s32 $0xFFFFC000  }
0x2f4: {  	[hbm4b:s16+s5] =	stream.strided.scatter [tilespmem:s9], [sflag:$0x3], $0x4000, s7, s5, $0x38;
	[tilespmem:$0x1A600] =	vst v63  }
0x2f5: {  	_ =	swait.ge [sflag:s2], $0x4000  }
0x2f6: {  	[sflag:s2] =	ssyncset.done $0x0  }
0x2f7: {  	s17 =	rddreg [dreg:$0xd];
	[sflag:s2] =	ssyncadd.s32 $0xFFFFC000  }
0x2f8: {  	[tilespmem:s9], [sflag:$0x2] =	stream.indirect.gather [hbm4b:s17+s6], $0x20, s26, s6, $0xb8;
	[tilespmem:$0x1A600] =	vst v63  }
0x2f9: {  	_ =	swait.ge [sflag:s4], $0x4000  }
0x2fa: {  	s18 =	sld [smem:$0x7EF]  }
0x2fb: {  	[sflag:s4] =	ssyncset.done $0x0  }
0x2fc: {  	[sflag:s4] =	ssyncadd.s32 $0xFFFFC000  }
0x2fd: {  	[hbm4b:s18+s5] =	stream.strided.scatter [tilespmem:s8], [sflag:$0x3], $0x4000, s7, s5, $0x38;
	[tilespmem:$0x1A600] =	vst v63  }
0x2fe: {  	_ =	swait.ge [sflag:s2], $0x4000  }
0x2ff: {  	[sflag:s2] =	ssyncset.done $0x0  }
0x300: {  	s25 =	rddreg [dreg:$0xe];
	[sflag:s2] =	ssyncadd.s32 $0xFFFFC000  }
0x301: {  	[tilespmem:s8], [sflag:$0x2] =	stream.indirect.gather [hbm4b:s25+s6], $0x20, s22, s6, $0xb8;
	[tilespmem:$0x1A600] =	vst v63  }
0x302: {  	_ =	swait.ge [sflag:s4], $0x4000  }
0x303: {  	s26 =	sld [smem:$0x7F0]  }
0x304: {  	[sflag:s4] =	ssyncset.done $0x0  }
0x305: {  	[sflag:s4] =	ssyncadd.s32 $0xFFFFC000  }
0x306: {  	[hbm4b:s26+s5] =	stream.strided.scatter [tilespmem:s3], [sflag:$0x3], $0x4000, s7, s5, $0x38;
	[tilespmem:$0x1A600] =	vst v63  }
0x307: {  	_ =	swait.ge [sflag:s2], $0x4000  }
0x308: {  	[sflag:s2] =	ssyncset.done $0x0  }
0x309: {  	s28 =	rddreg [dreg:$0xf];
	[sflag:s2] =	ssyncadd.s32 $0xFFFFC000  }
0x30a: {  	[tilespmem:s3], [sflag:$0x2] =	stream.indirect.gather [hbm4b:s28+s6], $0x20, s24, s6, $0xb8;
	[tilespmem:$0x1A600] =	vst v63  }
0x30b: {  	_ =	swait.ge [sflag:s4], $0x4000  }
0x30c: {  	s29 =	sld [smem:$0x7F1]  }
0x30d: {  	[sflag:s4] =	ssyncset.done $0x0  }
0x30e: {  	[sflag:s4] =	ssyncadd.s32 $0xFFFFC000  }
0x30f: {  	[hbm4b:s29+s5] =	stream.strided.scatter [tilespmem:s13], [sflag:$0x3], $0x4000, s7, s5, $0x38;
	[tilespmem:$0x1A600] =	vst v63  }
0x310: {  	_ =	swait.ge [sflag:s2], $0x4000  }
0x311: {  	[sflag:s2] =	ssyncset.done $0x0  }
0x312: {  	s30 =	rddreg [dreg:$0x10];
	[sflag:s2] =	ssyncadd.s32 $0xFFFFC000  }
0x313: {  	[tilespmem:s13], [sflag:$0x2] =	stream.indirect.gather [hbm4b:s30+s6], $0x20, s23, s6, $0xb8;
	[tilespmem:$0x1A600] =	vst v63  }
0x314: {  	_ =	swait.ge [sflag:s4], $0x4000  }
0x315: {  	s31 =	sld [smem:$0x7F2]  }
0x316: {  	[sflag:s4] =	ssyncset.done $0x0  }
0x317: {  	[sflag:s4] =	ssyncadd.s32 $0xFFFFC000  }
0x318: {  	[hbm4b:s31+s5] =	stream.strided.scatter [tilespmem:s12], [sflag:$0x3], $0x4000, s7, s5, $0x38;
	[tilespmem:$0x1A600] =	vst v63  }
0x319: {  	_ =	swait.ge [sflag:s2], $0x4000  }
0x31a: {  	[sflag:s2] =	ssyncset.done $0x0  }
0x31b: {  	s1 =	rddreg [dreg:$0x11];
	[sflag:s2] =	ssyncadd.s32 $0xFFFFC000  }
0x31c: {  	[tilespmem:s12], [sflag:$0x2] =	stream.indirect.gather [hbm4b:s1+s6], $0x20, s21, s6, $0xb8;
	[tilespmem:$0x1A600] =	vst v63  }
0x31d: {  	_ =	swait.ge [sflag:s4], $0x4000  }
0x31e: {  	s14 =	sld [smem:$0x7F3]  }
0x31f: {  	[sflag:s4] =	ssyncset.done $0x0  }
0x320: {  	[sflag:s4] =	ssyncadd.s32 $0xFFFFC000  }
0x321: {  	[hbm4b:s14+s5] =	stream.strided.scatter [tilespmem:s10], [sflag:$0x3], $0x4000, s7, s5, $0x38;
	[tilespmem:$0x1A600] =	vst v63  }
0x322: {  	_ =	swait.ge [sflag:s2], $0x4000  }
0x323: {  	[sflag:s2] =	ssyncset.done $0x0  }
0x324: {  	s16 =	rddreg [dreg:$0x12];
	[sflag:s2] =	ssyncadd.s32 $0xFFFFC000  }
0x325: {  	[tilespmem:s10], [sflag:$0x2] =	stream.indirect.gather [hbm4b:s16+s6], $0x20, s20, s6, $0xb8;
	[tilespmem:$0x1A600] =	vst v63  }
0x326: {  	_ =	swait.ge [sflag:s4], $0x4000  }
0x327: {  	s17 =	sld [smem:$0x7F4]  }
0x328: {  	[sflag:s4] =	ssyncset.done $0x0  }
0x329: {  	[sflag:s4] =	ssyncadd.s32 $0xFFFFC000  }
0x32a: {  	[hbm4b:s17+s5] =	stream.strided.scatter [tilespmem:s9], [sflag:$0x3], $0x4000, s7, s5, $0x38;
	[tilespmem:$0x1A600] =	vst v63  }
0x32b: {  	_ =	swait.ge [sflag:s2], $0x4000  }
0x32c: {  	[sflag:s2] =	ssyncset.done $0x0  }
0x32d: {  	s18 =	rddreg [dreg:$0x13];
	[sflag:s2] =	ssyncadd.s32 $0xFFFFC000  }
0x32e: {  	[tilespmem:s9], [sflag:$0x2] =	stream.indirect.gather [hbm4b:s18+s6], $0x20, s19, s6, $0xb8;
	[tilespmem:$0x1A600] =	vst v63  }
0x32f: {  	_ =	swait.ge [sflag:s4], $0x4000  }
0x330: {  	s19 =	sld [smem:$0x7F5]  }
0x331: {  	[sflag:s4] =	ssyncset.done $0x0  }
0x332: {  	[sflag:s4] =	ssyncadd.s32 $0xFFFFC000  }
0x333: {  	[hbm4b:s19+s5] =	stream.strided.scatter [tilespmem:s8], [sflag:$0x3], $0x4000, s7, s5, $0x38;
	[tilespmem:$0x1A600] =	vst v63  }
0x334: {  	_ =	swait.ge [sflag:s2], $0x4000  }
0x335: {  	[sflag:s2] =	ssyncset.done $0x0  }
0x336: {  	s21 =	simm.s32 $0x2200;
	s20 =	rddreg [dreg:$0x14];
	[sflag:s2] =	ssyncadd.s32 $0xFFFFC000  }
0x337: {  	[tilespmem:s8], [sflag:$0x2] =	stream.indirect.gather [hbm4b:s20+s6], $0x20, s21, s6, $0xb8;
	[tilespmem:$0x1A600] =	vst v63  }
0x338: {  	_ =	swait.ge [sflag:s4], $0x4000  }
0x339: {  	s22 =	sld [smem:$0x7F6]  }
0x33a: {  	[sflag:s4] =	ssyncset.done $0x0  }
0x33b: {  	[sflag:s4] =	ssyncadd.s32 $0xFFFFC000  }
0x33c: {  	[hbm4b:s22+s5] =	stream.strided.scatter [tilespmem:s3], [sflag:$0x3], $0x4000, s7, s5, $0x38;
	[tilespmem:$0x1A600] =	vst v63  }
0x33d: {  	_ =	swait.ge [sflag:s2], $0x4000  }
0x33e: {  	[sflag:s2] =	ssyncset.done $0x0  }
0x33f: {  	s15 =	simm.s32 $0x2400;
	s23 =	rddreg [dreg:$0x15];
	[sflag:s2] =	ssyncadd.s32 $0xFFFFC000  }
0x340: {  	[tilespmem:s3], [sflag:$0x2] =	stream.indirect.gather [hbm4b:s23+s6], $0x20, s15, s6, $0xb8;
	[tilespmem:$0x1A600] =	vst v63  }
0x341: {  	_ =	swait.ge [sflag:s4], $0x4000  }
0x342: {  	s24 =	sld [smem:$0x7F7]  }
0x343: {  	[sflag:s4] =	ssyncset.done $0x0  }
0x344: {  	[sflag:s4] =	ssyncadd.s32 $0xFFFFC000  }
0x345: {  	[hbm4b:s24+s5] =	stream.strided.scatter [tilespmem:s13], [sflag:$0x3], $0x4000, s7, s5, $0x38;
	[tilespmem:$0x1A600] =	vst v63  }
0x346: {  	_ =	swait.ge [sflag:s4], $0x4000  }
0x347: {  	s25 =	sld [smem:$0x7F8]  }
0x348: {  	[sflag:s4] =	ssyncset.done $0x0  }
0x349: {  	[sflag:s4] =	ssyncadd.s32 $0xFFFFC000  }
0x34a: {  	[hbm4b:s25+s5] =	stream.strided.scatter [tilespmem:s12], [sflag:$0x3], $0x4000, s7, s5, $0x38;
	[tilespmem:$0x1A600] =	vst v63  }
0x34b: {  	_ =	swait.ge [sflag:s4], $0x4000  }
0x34c: {  	s26 =	sld [smem:$0x7F9]  }
0x34d: {  	[sflag:s4] =	ssyncset.done $0x0  }
0x34e: {  	[sflag:s4] =	ssyncadd.s32 $0xFFFFC000  }
0x34f: {  	[hbm4b:s26+s5] =	stream.strided.scatter [tilespmem:s10], [sflag:$0x3], $0x4000, s7, s5, $0x38;
	[tilespmem:$0x1A600] =	vst v63  }
0x350: {  	_ =	swait.ge [sflag:s4], $0x4000  }
0x351: {  	s28 =	sld [smem:$0x7FA]  }
0x352: {  	[sflag:s4] =	ssyncset.done $0x0  }
0x353: {  	[sflag:s4] =	ssyncadd.s32 $0xFFFFC000  }
0x354: {  	[hbm4b:s28+s5] =	stream.strided.scatter [tilespmem:s9], [sflag:$0x3], $0x4000, s7, s5, $0x38;
	[tilespmem:$0x1A600] =	vst v63  }
0x355: {  	_ =	swait.ge [sflag:s4], $0x4000  }
0x356: {  	s29 =	sld [smem:$0x7FB]  }
0x357: {  	[sflag:s4] =	ssyncset.done $0x0  }
0x358: {  	[sflag:s4] =	ssyncadd.s32 $0xFFFFC000  }
0x359: {  	[hbm4b:s29+s5] =	stream.strided.scatter [tilespmem:s8], [sflag:$0x3], $0x4000, s7, s5, $0x38;
	[tilespmem:$0x1A600] =	vst v63  }
0x35a: {  	_ =	swait.ge [sflag:s4], $0x4000  }
0x35b: {  	s30 =	sld [smem:$0x7FD]  }
0x35c: {  	[sflag:s4] =	ssyncset.done $0x0  }
0x35d: {  	[sflag:s4] =	ssyncadd.s32 $0xFFFFC000  }
0x35e: {  	[hbm4b:s30+s5] =	stream.strided.scatter [tilespmem:s3], [sflag:$0x3], $0x4000, s7, s5, $0x38;
	[tilespmem:$0x1A600] =	vst v63  }
0x35f: {  	_ =	swait.ge [sflag:s2], $0x4000  }
0x360: {  	[sflag:s2] =	ssyncset.done $0x0  }
0x361: {  	[sflag:s2] =	ssyncadd.s32 $0xFFFFC000  }
0x362: {  	_ =	swait.ge [sflag:s2], $0x4000  }
0x363: {  	[sflag:s2] =	ssyncset.done $0x0  }
0x364: {  	[sflag:s2] =	ssyncadd.s32 $0xFFFFC000  }
0x365: {  	_ =	swait.ge [sflag:s2], $0x4000  }
0x366: {  	[sflag:s2] =	ssyncset.done $0x0  }
0x367: {  	[sflag:s2] =	ssyncadd.s32 $0xFFFFC000  }
0x368: {  	_ =	swait.ge [sflag:s2], $0x4000  }
0x369: {  	[sflag:s2] =	ssyncset.done $0x0  }
0x36a: {  	[sflag:s2] =	ssyncadd.s32 $0xFFFFC000  }
0x36b: {  	_ =	swait.ge [sflag:s2], $0x4000  }
0x36c: {  	[sflag:s2] =	ssyncset.done $0x0  }
0x36d: {  	[sflag:s2] =	ssyncadd.s32 $0xFFFFC000  }
0x36e: {  	_ =	swait.ge [sflag:s2], $0x4000  }
0x36f: {  	[sflag:s2] =	ssyncset.done $0x0  }
0x370: {  	[sflag:s2] =	ssyncadd.s32 $0xFFFFC000  }
0x371: {  	_ =	sfence.sel $0x180000  }
0x372: {  	s31 =	stileid.u32;
	[bflag:$0x0] =	sbarrier.arrive $0xFFFF  }
0x373: {  	p0 =	sne.s32 s31, $0x0;
	_ =	strace $0x90000047  }
0x374: {  	s0 =	sadd.s32 @!p0 $0x100000, s11;
	[bflag:$0x2] =	sbarrier.arrive $0xFFFF  }
0x375: {  	[sflag:s0] =	ssyncadd.tile.s32 @!p0 $0x1;
	_ =	shalt  }
.LBB2_1:
.Ltmp3:
0x376: {  	(pc) =	sbr.rel .LBB2_6-.Ltmp3, $2  }
0x377: {  	_ =	sdelay $0x2  }
0x378: {  	s25 =	sld [smem:$0x7FC]  }
.LBB2_7:
.Ltmp4:
0x379: {  	(pc) =	sbr.rel .LBB2_6-.Ltmp4, $3  }
0x37a: {  	_ =	sdelay $0x1  }
0x37b: {  	s25 =	sld [smem:$0x7FC]  }
0x37c: {  	s11 =	rddreg [dreg:$0x2];
	s20 =	simm.s32 $0x600;
	s22 =	simm.s32 $0x400  }
.Lfunc_end2:
_tile_overlayer_lowered:
.L_overlay_start_2:
0x37d: {  	(tag) =	ssettag $0x2  }
0x37e: {  	s0 =	rddreg [dreg:$0x0];
	s2 =	stileid.u32  }
0x37f: {  	s1 =	rddreg [dreg:$0x1];
	p0 =	sne.s32 s2, $0x0  }
0x380: {  	s3 =	rddreg [dreg:$0x2];
	[bflag:$0x3] =	sbarrier.arrive $0xFFFF;
	s2 =	simm.s32 @!p0 $0x1C04  }
0x381: {  	[timem:s3], [sflag:s2] =	dma.local @!p0 [hbm:s0], s1  }
0x382: {  	s0 =	simm.s32 @!p0 $0x4  }
0x383: {  	_ =	swait.ge @!p0 [sflag:s0], s1  }
0x384: {  	s1 =	ssub.s32 @!p0 $0x0, s1;
	[sflag:s0] =	ssyncset.done @!p0 $0x0  }
0x385: {  	[sflag:s0] =	ssyncadd.s32 @!p0 s1  }
0x386: {  	[bflag:$0x3] =	sbarrier.arrive $0xFFFF  }
0x387: {  	_ =	shalt  }

// kernel: sparse-core-data-format-call.cloned.1.call-start
scs
called_computation_lowered:
.L_overlay_start_0:
0x0: {  	s2 =	sld [smem:$0x3FD9]  }
0x1: {  	s3 =	sld [smem:$0x3FFE];
	_ =	sdelay $0x1  }
0x2: {  	s1 =	srdreg.scid  }
0x3: {  	s0 =	sand.u32 $0x1, s1  }
0x4: {  	s18 =	sshll.u32 s0, $0xA;
	s2 =	sadd.s32 s3, s2  }
0x5: {  	s2 =	sadd.s32 s2, s18  }
0x6: {  	[smem:$0x3FB4] =	sst s2  }
0x7: {  	_ = 	snop  }
0x8: {  	s2 =	sld [smem:$0x3FD0];
	(tm) =	ssettm $0x1  }
0x9: {  	s19 =	sld [smem:$0x3FFB];
	_ =	sdelay $0x3  }
0xa: {  	_ =	strace s19  }
0xb: {  	s3 =	sld [smem:$0x3FFC];
	_ =	sdelay $0x3  }
0xc: {  	_ =	strace s3  }
0xd: {  	s3 =	sld [smem:$0x3FFD];
	_ =	sdelay $0x3  }
0xe: {  	_ =	strace s3  }
0xf: {  	_ =	strace $0x8FFFFFFF  }
0x10: {  	s20 =	sld [smem:$0x3FDB];
	_ =	sdelay $0x1  }
0x11: {  	s4 =	simm.s32 $_scs_section_size  }
0x12: {  	s5 =	simm.s32 $_size__tile_overlayer_lowered;
	s6 =	simm.s32 $_tile_overlayer_lowered  }
0x13: {  	s23 =	simm.s32 $0x1BFF;
	s22 =	sshll.u32 s6, $0x1;
	s3 =	sadd.s32 s4, s20  }
0x14: {  	s7 =	simm.s32 $0x0;
	s21 =	sshll.u32 s5, $0x1;
	s5 =	sadd.s32 s22, s3  }
0x15: {  	[timem:s7], [sflag:s23] =	dma.local [hbm:s5], s21  }
0x16: {  	_ =	swait.ge [sflag:s23], s21  }
0x17: {  	s4 =	ssub.s32 $0x0, s21;
	[sflag:s23] =	ssyncset.done $0x0  }
0x18: {  	[sflag:s23] =	ssyncadd.s32 s4;
	_ =	sdelay $0x1  }
0x19: {  	s24 =	simm.s32 $0x1B8B  }
0x1a: {  	_ =	swait.ge [sflag:s24], $0x1  }
0x1b: {  	[sflag:s24] =	ssyncset.done $0x0  }
0x1c: {  	s26 =	simm.s32 $0x1B8E;
	s25 =	sld [smem:$0x3FFE];
	[sflag:s24] =	ssyncadd.s32 $0xFFFFFFFF  }
0x1d: {  	s27 =	simm.s32 $execute0_lowered;
	[smem:$0x3FD2] =	sst s26  }
0x1e: {  	s5 =	sshll.u32 s27, $0x1;
	_ =	strace $0x80000049;
	[dreg:$0x1] =	wrdreg $0xFFFFFFFF  }
0x1f: {  	s28 =	simm.s32 $_size_execute0_lowered;
	s3 =	sadd.s32 s3, s5;
	[dreg:$0x0] =	wrdreg $0x0  }
0x20: {  	s5 =	sshll.u32 s28, $0x1;
	[dreg:$0x2] =	wrdreg s3  }
0x21: {  	[dreg:$0x3] =	wrdreg s5  }
0x22: {  	[dreg:$0x4] =	wrdreg $0xC0  }
0x23: {  	_ =	task [dreg:s7], $0x5FFFF  }
0x24: {  	[dreg:$0x1] =	wrdreg $0xFFFFFFFF  }
0x25: {  	[dreg:$0x0] =	wrdreg $0x60  }
0x26: {  	[dreg:$0x2] =	wrdreg s25  }
0x27: {  	[dreg:$0x3] =	wrdreg s2  }
0x28: {  	[dreg:$0x4] =	wrdreg $0x9  }
0x29: {  	_ =	task.clear_ibuf [dreg:s7], $0x5FFFF;
	_ =	strace $0x90000049  }
0x2a: {  	s29 =	simm.s32 $0x9;
	_ =	strace $0x8000004B  }
0x2b: {  	_ =	swait.ge [sflag:s29], $0x1  }
0x2c: {  	[sflag:s29] =	ssyncadd.s32 $0xFFFFFFFF  }
0x2d: {  	_ =	strace $0x9000004B  }
0x2e: {  	_ =	sfence  }
0x2f: {  	s30 =	sld [smem:$0x0];
	_ =	sdelay $0x2  }
0x30: {  	s31 =	sshll.u32 s1, $0xD;
	s1 =	sshrl.u32 s1, $0x2  }
0x31: {  	s3 =	sand.u32 $0x4000, s31;
	s1 =	sadd.s32 s1, s30  }
0x32: {  	s0 =	sor.u32 s3, s0;
	s1 =	sshll.u32 s1, $0x11  }
0x33: {  	s0 =	sor.u32 s1, s0  }
0x34: {  	s0 =	sadd.s32 $0x8F2B, s0  }
0x35: {  	[sflag:s0] =	ssyncadd.remote.s32 $0x1  }
0x36: {  	_ =	sfence.sel $0xFFFF  }
0x37: {  	[dreg:$0x0] =	wrdreg $0xFFFFFFFF;
	(pc) =	sbr.abs _section_cstart, $3  }
0x38: {  	[dreg:$0x1] =	wrdreg $0xFFFFFFFF  }
0x39: {  	_ =	task.clear_ibuf [dreg:s7], $0x2FFFF;
	_ =	strace $0x9FFFFFFF  }
0x3a: {  	(tm) =	ssettm $0x7FFFFFFF  }
0x3b: {  	_ =	shalt  }
tec
execute0_lowered:
.L_overlay_start_1:
0x0: {  	(tag) =	ssettag $0x1  }
0x1: {  	s0 =	srdreg.scid  }
0x2: {  	s1 =	sshll.u32 s0, $0x4  }
0x3: {  	s6 =	rddreg [dreg:$0x0];
	s0 =	stileid.u32;
	s1 =	sand.u32 $0x10, s1  }
0x4: {  	s3 =	rddreg [dreg:$0x1];
	s1 =	sor.u32 s0, s1  }
0x5: {  	s5 =	simm.s32 $0x1;
	s31 =	simm.s32 $0x2;
	s2 =	sshll.u32 s1, $0x7  }
0x6: {  	s15 =	simm.s32 $0x0;
	s8 =	simm.s32 $0x20000;
	s4 =	ssub.s32 $0x4000, s2  }
0x7: {  	s14 =	simm.s32 $0x0;
	s9 =	simm.s32 $0x0;
	s30 =	sand.u32 $0xF80, s4  }
0x8: {  	s10 =	simm.s32 $0x0;
	s11 =	simm.s32 $0x0;
	p0 =	sne.s32 s30, $0x0  }
.Ltmp0:
0x9: {  	s7 =	sshrl.u32 s4, $0xC;
	s5 =	simm.s32 @!p0 $0x0;
	(pc) =	sbr.rel .LBB1_1-.Ltmp0, $4  }
0xa: {  	s13 =	simm.s32 $0x0;
	s1 =	rddreg [dreg:$0x2];
	s5 =	sadd.s32 s5, s7  }
0xb: {  	_ =	strace $0x8000004A;
	s4 =	simm.s32 $0x1;
	s5 =	smul.u32 $0x5, s5  }
0xc: {  	s6 =	sadd.s32 $0x12A00, s6;
	s12 =	smov.u32 s2;
	[sflag:s4] =	ssyncpa.u1 $0x0  }
0xd: {  	[sflag:s31] =	ssyncpa.u1 $0x0;
	p0 =	por $0x0, $0x0;
	s7 =	sadd.s32 $0x1, s5  }
.LBB1_4:
0xe: {  	s20 =	sshra.s32 s20, $0x2  }
0xf: {  	s28 =	sand.u32 $0x78, s10;
	s21 =	sshll.u32 s9, $0xE;
	s22 =	sshll.u32 s10, $0x3  }
0x10: {  	s24 =	sshll.u32 s9, $0x7;
	p1 =	sgt.s32 s9, $0x1E0;
	s30 =	sshra.s32 s9, $0x1F  }
0x11: {  	s26 =	sshra.s32 s10, $0x1F;
	s19 =	sadd.s32 s20, s19;
	s21 =	sand.u32 $0xFFFE0000, s21  }
0x12: {  	v5 =	vld [tilespmem:s17+$0xFFFFFFD0];
	[tilespmem:s18+$0x2040 ss:$0x81] =	vst.msk $0xffff, v4;
	s23 =	sand.u32 $0xFFFFFC00, s22;
	s29 =	sand.u32 $0x380, s24;
	s22 =	sand.u32 $0x3C00, s22  }
0x13: {  	v58 =	vld [tilespmem:s17+$0xFFFFFFE0];
	[tilespmem:s18+$0x2850 ss:$0x81] =	vst.msk $0xffff, v3;
	s21 =	sadd.s32 s23, s21;
	s20 =	sor.u32 s28, s22;
	s22 =	smov.u32 s9  }
0x14: {  	v59 =	vld [tilespmem:s17+$0xFFFFFFF0];
	[tilespmem:s18+$0x3060 ss:$0x81] =	vst.msk $0xffff, v2;
	s24 =	sand.u32 s30, s9;
	s21 =	sshrl.u32 s21, $0xE;
	s22 =	simm.s32 @!p1 $0x1E0  }
0x15: {  	v60 =	vld [tilespmem:s17+$0x0];
	[tilespmem:s18+$0x0 ss:$0x81] =	vst.msk $0xffff, v1;
	p1 =	sgt.s32 s10, $0x3F80;
	s31 =	ssub.s32 s22, s24;
	s22 =	smov.u32 s10  }
0x16: {  	v61 =	vld [tilespmem:s17+$0x10];
	[tilespmem:s19+$0x3870 ss:$0x81] =	vst.msk $0xffff, v0;
	s25 =	smulhi.u32 $0x6BCA1B, s21;
	s24 =	sand.u32 s26, s10;
	s22 =	simm.s32 @!p1 $0x3F80  }
0x17: {  	v62 =	vld [tilespmem:s17+$0x20];
	s20 =	sor.u32 s29, s20;
	[tilespmem:s19+$0x810 ss:$0x81] =	vst.msk $0xffff, v5;
	s27 =	sadd.s32 $0xFFFFFE20, s31;
	s22 =	ssub.s32 s22, s24  }
0x18: {  	v63 =	vld [tilespmem:s17+$0xFFFFFFC0];
	[tilespmem:s19+$0x1020 ss:$0x81] =	vst.msk $0xffff, v58;
	s18 =	ssub.s32 $0x260, s31;
	s28 =	smul.u32 $0x260, s25;
	s29 =	sadd.s32 $0xFFFFC080, s22  }
0x19: {  	[tilespmem:s19+$0x1830 ss:$0x81] =	vst.msk $0xffff, v59;
	p1 =	sgt.s32 s27, $0x7F;
	s22 =	ssub.s32 $0x4000, s22;
	p2 =	sgt.s32 s29, $0x7F  }
0x1a: {  	s30 =	sand.u32 $0x7, s10;
	[tilespmem:s19+$0x2040 ss:$0x81] =	vst.msk $0xffff, v60;
	s18 =	simm.s32 @p1 $0x0;
	s22 =	simm.s32 @p2 $0x0  }
0x1b: {  	s20 =	sshrl.u32 s20, $0x3;
	[tilespmem:s19+$0x2850 ss:$0x81] =	vst.msk $0xffff, v61;
	s17 =	ssub.s32 s21, s28;
	s18 =	smul.u32 s22, s18  }
0x1c: {  	[tilespmem:s19+$0x3060 ss:$0x81] =	vst.msk $0xffff, v62;
	s20 =	sadd.s32 s3, s20;
	s21 =	sshll.u32 s30, $0x12;
	s17 =	sshll.u32 s17, $0xB  }
0x1d: {  	[tilespmem:s19+$0x0 ss:$0x81] =	vst.msk $0xffff, v63;
	s31 =	sor.u32 $0x400, s21;
	s17 =	sadd.s32 s17, s20;
	s18 =	sand.u32 $0x3FFFFFFF, s18  }
0x1e: {  	[hbm4b:s17+s31] =	stream.strided.scatter [tilespmem:s16], [sflag:$0x2], s18, s8, s31, $0x20;
	[tilespmem:$0x10100] =	vst v63  }
.LBB1_5:
0x1f: {  	p1 =	slt.u32 s13, $0x2  }
0x20: {  	s17 =	smov.u32 s15;
	p2 =	sgt.s32 @!p1 s15, $0x1E0;
	s16 =	sshra.s32 @!p1 s15, $0x1F  }
0x21: {  	p3 =	sgt.s32 @!p1 s14, $0x3F80;
	s18 =	sshra.s32 @!p1 s14, $0x1F;
	p2 =	por !p2, p1  }
0x22: {  	s15 =	sand.u32 @!p1 s16, s15;
	p3 =	por !p3, p1;
	s16 =	smov.u32 s14  }
0x23: {  	s14 =	sand.u32 @!p1 s18, s14;
	s17 =	simm.s32 @p2 $0x1E0;
	s16 =	simm.s32 @p3 $0x3F80  }
0x24: {  	s15 =	ssub.s32 @!p1 s17, s15;
	s14 =	ssub.s32 @!p1 s16, s14  }
0x25: {  	s18 =	smov.u32 s12;
	s16 =	sadd.s32 @!p1 $0xFFFFFE20, s15;
	s17 =	sadd.s32 @!p1 $0xFFFFC080, s14  }
0x26: {  	s15 =	ssub.s32 @!p1 $0x260, s15;
	p2 =	sgt.s32 @!p1 s16, $0x7F;
	p3 =	sgt.s32 @!p1 s17, $0x7F  }
0x27: {  	s14 =	ssub.s32 @!p1 $0x4000, s14;
	p2 =	por !p2, p1;
	p3 =	por !p3, p1  }
0x28: {  	s16 =	sadd.s32 $0x80, s11;
	s15 =	simm.s32 @!p2 $0x0;
	s14 =	simm.s32 @!p3 $0x0  }
0x29: {  	p2 =	sgt.s32 s16, $0x25F;
	s14 =	smul.u32 @!p1 s14, s15;
	s15 =	sadd.s32 $0x1000, s12  }
0x2a: {  	s18 =	smov.u32 @p2 s15  }
0x2b: {  	s16 =	simm.s32 @p2 $0x0;
	p2 =	sgt.s32 s18, $0x3FFF  }
0x2c: {  	s18 =	smov.u32 @p2 s2;
	p2 =	sne.s32 s13, s7  }
.Ltmp1:
0x2d: {  	p0 =	por !p0, !p0;
	s17 =	simm.s32 @!p1 $0x2;
	(pc) =	sbr.rel @!p2 .LBB1_6-.Ltmp1, $4  }
0x2e: {  	s15 =	smov.u32 s9;
	s9 =	smov.u32 s11;
	s14 =	sand.u32 @!p1 $0x3FFFFFFF, s14  }
0x2f: {  	s11 =	smov.u32 s16;
	_ =	swait.ge @!p1 [sflag:s17], s14;
	s19 =	ssub.s32 @!p1 $0x0, s14  }
0x30: {  	s14 =	smov.u32 s10;
	s13 =	sadd.s32 $0x1, s13;
	[sflag:s17] =	ssyncset.done @!p1 $0x0  }
0x31: {  	s10 =	smov.u32 s12;
	s12 =	smov.u32 s18;
	[sflag:s17] =	ssyncadd.s32 @!p1 s19  }
.LBB1_1:
0x32: {  	p1 =	sge.u32 s13, s5  }
0x33: {  	s16 =	sshrl.u32 @!p1 s12, $0x3  }
0x34: {  	s17 =	sshll.u32 @!p1 s11, $0x3;
	s16 =	smul.u32 @!p1 $0x1400, s16  }
0x35: {  	s18 =	sshll.u32 @!p1 s12, $0x7;
	s17 =	sand.u32 @!p1 $0xFFFFFC00, s17  }
0x36: {  	s16 =	sadd.s32 @!p1 s16, s17;
	s17 =	sand.u32 @!p1 $0x380, s18  }
0x37: {  	s18 =	sand.u32 @!p1 $0x7F, s11;
	s16 =	sor.u32 @!p1 s17, s16  }
0x38: {  	s17 =	sor.u32 @!p1 s18, s16  }
0x39: {  	s18 =	smulhi.u32 @!p1 $0xCCCCCCCD, s17;
	_ =	sdelay $0x1  }
0x3a: {  	s16 =	smulhi.u32 @!p1 $0xCCCCCCCD, s16;
	s18 =	sshrl.u32 @!p1 s18, $0x9  }
0x3b: {  	s18 =	smul.u32 @!p1 $0x280, s18  }
0x3c: {  	s31 =	sadd.s32 $0xFFFFFFFF, s13;
	s19 =	sxor.u32 @!p1 $0xFFFFFFFF, s13;
	s16 =	sshrl.u32 @!p1 s16, $0x9  }
0x3d: {  	s19 =	sshll.u32 @!p1 s19, $0xE;
	s16 =	sand.u32 @!p1 $0x3FFF, s16;
	s17 =	ssub.s32 @!p1 s17, s18  }
0x3e: {  	s16 =	smul.u32 @!p1 $0x50, s16;
	s18 =	sshrl.u32 @!p1 s17, $0x3;
	s17 =	sand.u32 @!p1 $0x7, s17  }
0x3f: {  	s19 =	sand.u32 @!p1 $0x4000, s19;
	s18 =	sadd.s32 @!p1 s6, s18;
	s17 =	sshll.u32 @!p1 s17, $0x12  }
0x40: {  	s16 =	sadd.s32 @!p1 s16, s18;
	s17 =	sor.u32 @!p1 $0x400, s17;
	s18 =	simm.s32 @!p1 $0x1400  }
0x41: {  	[tilespmem:s19], [sflag:$0x1] =	stream.strided.gather @!p1 [hbm4b:s16+s17], $0x4000, s18, s17, $0x38;
	[tilespmem:$0x10100] =	vst v63  }
0x42: {  	p1 =	sge.u32 s31, s5  }
.Ltmp2:
0x43: {  	_ = 	snop;
	(pc) =	sbr.rel @p1 .LBB1_5-.Ltmp2, $1  }
0x44: {  	_ =	sdelay $0x3  }
0x45: {  	s16 =	simm.s32 $0x1  }
0x46: {  	_ =	swait.ge [sflag:s4], $0x4000;
	s16 =	simm.s32 @!p0 $0x0  }
0x47: {  	[sflag:s4] =	ssyncset.done $0x0;
	s17 =	sshll.u32 s16, $0xE  }
0x48: {  	[sflag:s4] =	ssyncadd.s32 $0xFFFFC000;
	s17 =	sor.u32 $0x40, s17  }
0x49: {  	s16 =	smul.u32 $0x10200, s16;
	v0 =	vld [tilespmem:s17+$0x30]  }
0x4a: {  	v1 =	vld [tilespmem:s17+$0xFFFFFFD0]  }
0x4b: {  	s16 =	sshrl.u32 s16, $0x2;
	v5 =	vld [tilespmem:s17+$0xFFFFFFE0]  }
0x4c: {  	v6 =	vld [tilespmem:s17+$0xFFFFFFF0];
	s19 =	sor.u32 $0x8000, s16  }
0x4d: {  	s31 =	sand.u32 $0x1, s13;
	v4 =	vld [tilespmem:s17+$0x0];
	s18 =	sadd.s32 $0x0, s19  }
0x4e: {  	v3 =	vld [tilespmem:s17+$0x10];
	s16 =	smul.u32 $0x10200, s31;
	[tilespmem:s18+$0x3870 ss:$0x81] =	vst.msk $0xffff, v0  }
0x4f: {  	v2 =	vld [tilespmem:s17+$0x20];
	[tilespmem:s18+$0x810 ss:$0x81] =	vst.msk $0xffff, v1  }
0x50: {  	s16 =	sshrl.u32 s16, $0x2;
	v1 =	vld [tilespmem:s17+$0xFFFFFFC0];
	[tilespmem:s18+$0x1020 ss:$0x81] =	vst.msk $0xffff, v5;
	s17 =	sadd.s32 $0x80, s17  }
0x51: {  	s20 =	simm.s32 $0x4;
	s21 =	simm.s32 $0x8;
	s16 =	sor.u32 $0x8000, s16;
	[tilespmem:s18+$0x1830 ss:$0x81] =	vst.msk $0xffff, v6;
	v0 =	vld [tilespmem:s17+$0x30]  }
.LBB1_3:
0x52: {  	p1 =	sne.s32 s21, $0x1FC;
	v5 =	vld [tilespmem:s17+$0xFFFFFFD0];
	[tilespmem:s18+$0x2040 ss:$0x81] =	vst.msk $0xffff, v4  }
0x53: {  	v6 =	vld [tilespmem:s17+$0xFFFFFFE0];
	[tilespmem:s18+$0x2850 ss:$0x81] =	vst.msk $0xffff, v3  }
0x54: {  	s22 =	sshra.s32 s20, $0x2;
	s20 =	smov.u32 s21;
	v7 =	vld [tilespmem:s17+$0xFFFFFFF0];
	[tilespmem:s18+$0x3060 ss:$0x81] =	vst.msk $0xffff, v2  }
.Ltmp3:
0x55: {  	v4 =	vld [tilespmem:s17+$0x0];
	[tilespmem:s18+$0x0 ss:$0x81] =	vst.msk $0xffff, v1;
	s18 =	sadd.s32 s22, s19;
	(pc) =	sbr.rel @p1 .LBB1_3-.Ltmp3, $4  }
0x56: {  	v3 =	vld [tilespmem:s17+$0x10];
	[tilespmem:s18+$0x3870 ss:$0x81] =	vst.msk $0xffff, v0  }
0x57: {  	[tilespmem:s18+$0x810 ss:$0x81] =	vst.msk $0xffff, v5;
	v2 =	vld [tilespmem:s17+$0x20]  }
0x58: {  	v1 =	vld [tilespmem:s17+$0xFFFFFFC0];
	[tilespmem:s18+$0x1020 ss:$0x81] =	vst.msk $0xffff, v6;
	s17 =	sadd.s32 $0x80, s17  }
0x59: {  	s21 =	sadd.s32 $0x4, s21;
	v0 =	vld [tilespmem:s17+$0x30];
	[tilespmem:s18+$0x1830 ss:$0x81] =	vst.msk $0xffff, v7  }
.Ltmp4:
0x5a: {  	_ = 	snop;
	(pc) =	sbr.rel .LBB1_4-.Ltmp4, $1  }
0x5b: {  	_ =	sdelay $0x3  }
.LBB1_6:
0x5c: {  	_ =	sfence.sel $0x180000  }
0x5d: {  	s2 =	simm.s32 $0x1;
	[bflag:$0x0] =	sbarrier.arrive $0xFFFF  }
0x5e: {  	s31 =	simm.s32 $0x2;
	[sflag:s2] =	ssyncpa.u1 $0x1  }
0x5f: {  	[sflag:s31] =	ssyncpa.u1 $0x1  }
0x60: {  	p0 =	sne.s32 s0, $0x0;
	_ =	strace $0x9000004A  }
0x61: {  	s0 =	sadd.s32 @!p0 $0x100000, s1;
	[bflag:$0x2] =	sbarrier.arrive $0xFFFF  }
0x62: {  	[sflag:s0] =	ssyncadd.tile.s32 @!p0 $0x1;
	_ =	shalt  }
.Lfunc_end1:
_tile_overlayer_lowered:
.L_overlay_start_2:
0x63: {  	(tag) =	ssettag $0x2  }
0x64: {  	s0 =	rddreg [dreg:$0x0];
	s2 =	stileid.u32  }
0x65: {  	s1 =	rddreg [dreg:$0x1];
	p0 =	sne.s32 s2, $0x0  }
0x66: {  	s3 =	rddreg [dreg:$0x2];
	[bflag:$0x3] =	sbarrier.arrive $0xFFFF;
	s2 =	simm.s32 @!p0 $0x1C01  }
0x67: {  	[timem:s3], [sflag:s2] =	dma.local @!p0 [hbm:s0], s1  }
0x68: {  	s0 =	simm.s32 @!p0 $0x1  }
0x69: {  	_ =	swait.ge @!p0 [sflag:s0], s1  }
0x6a: {  	s1 =	ssub.s32 @!p0 $0x0, s1;
	[sflag:s0] =	ssyncset.done @!p0 $0x0  }
0x6b: {  	[sflag:s0] =	ssyncadd.s32 @!p0 s1  }
0x6c: {  	[bflag:$0x3] =	sbarrier.arrive $0xFFFF  }
0x6d: {  	_ =	shalt  }

</sc_bundles>
